<compile_context>
chip_gen: v7x
topology: tpu7x:2x2x1
jax: 0.10.2.dev20260603
libtpu: 0.0.44.dev20260713+nightly
codegen_flags: <defaults>
</compile_context>

<pallas_src>
import functools

import jax
import jax.numpy as jnp
from jax import lax
from jax.experimental import pallas as pl
from jax.experimental.pallas import tpu as pltpu
from jax.experimental.pallas import tpu_sc as plsc

NDIM = 128
HID = 64
N_NODES = 10000
N_EDGES = 320000

_NC, _NS, _LANES = 2, 16, 16
_N_PAD = 10240
_ROWS_PER_TILE = _N_PAD // _NS
_CHUNK = 256
_E_PAD = 327680
_E_ROWS = _E_PAD // _CHUNK
_CHUNKS_PER_T = _E_ROWS // _NS
_STEPS = _CHUNKS_PER_T
_STEPS_HALF = _STEPS // 2



def _sc_segment_sums(htab, gidx, sidx, z2, z1, with_deg):
    mesh = plsc.VectorSubcoreMesh(
        core_axis_name="c", subcore_axis_name="s",
        num_cores=_NC, num_subcores=_NS)

    out_type = [jax.ShapeDtypeStruct((_NC * _N_PAD, HID), jnp.float32)]
    scratch = [
        pltpu.VMEM_SHARED((_N_PAD, HID), jnp.float32),
        pltpu.VMEM((_CHUNKS_PER_T, _CHUNK), jnp.int32),
        pltpu.VMEM((_CHUNKS_PER_T, _CHUNK), jnp.int32),
        pltpu.VMEM((2, _CHUNK, HID), jnp.float32),
        pltpu.SemaphoreType.DMA,
        pltpu.SemaphoreType.DMA,
    ]
    if with_deg:
        out_type += [jax.ShapeDtypeStruct((_NC * _N_PAD,), jnp.float32)]
        scratch += [
            pltpu.VMEM_SHARED((_N_PAD,), jnp.float32),
            pltpu.VMEM((_CHUNK,), jnp.float32),
        ]

    @functools.partial(
        pl.kernel,
        out_type=tuple(out_type),
        mesh=mesh,
        compiler_params=pltpu.CompilerParams(use_tc_tiling_on_sc=False),
        scratch_types=scratch,
    )
    def k(htab_hbm, gidx_hbm, sidx_hbm, z2_hbm, z1_hbm, *rest):
        if with_deg:
            (s_out, deg_out, acc_sh, gidx_v, sidx_v, rows, sem0, sem1,
             deg_sh, ones_v) = rest
        else:
            s_out, acc_sh, gidx_v, sidx_v, rows, sem0, sem1 = rest
        gsem = (sem0, sem1)
        c = lax.axis_index("c")
        s = lax.axis_index("s")
        r0 = s * _ROWS_PER_TILE
        pltpu.sync_copy(z2_hbm, acc_sh.at[pl.ds(r0, _ROWS_PER_TILE)])
        if with_deg:
            pltpu.sync_copy(z1_hbm, deg_sh.at[pl.ds(r0, _ROWS_PER_TILE)])
            for g in range(_CHUNK // _LANES):
                ones_v[pl.ds(g * _LANES, _LANES)] = jnp.full((_LANES,), 1.0, jnp.float32)
        slab0 = pl.multiple_of(c * jnp.int32(_E_ROWS) + s * jnp.int32(_CHUNKS_PER_T),
                               _CHUNKS_PER_T)
        pltpu.sync_copy(gidx_hbm.at[pl.ds(slab0, _CHUNKS_PER_T)], gidx_v)
        pltpu.sync_copy(sidx_hbm.at[pl.ds(slab0, _CHUNKS_PER_T)], sidx_v)
        plsc.subcore_barrier()

        last = jnp.int32(_STEPS - 1)

        def idx_rows(ref, p):
            return ref.at[p]

        def issue_gather(p, b):
            pc = jnp.minimum(p, last)
            pltpu.async_copy(htab_hbm.at[idx_rows(gidx_v, pc)], rows.at[jnp.int32(b)], gsem[b])

        def wait_gather(b):
            pltpu.make_async_copy(
                htab_hbm.at[idx_rows(gidx_v, jnp.int32(0))], rows.at[jnp.int32(b)], gsem[b]).wait()

        issue_gather(jnp.int32(0), 0)
        issue_gather(jnp.int32(1), 1)

        def body(j, carry):
            for b in range(2):
                p = j * jnp.int32(2) + jnp.int32(b)
                wait_gather(b)
                pltpu.sync_copy(rows.at[jnp.int32(b)], acc_sh.at[idx_rows(sidx_v, p)], add=True)
                if with_deg:
                    pltpu.sync_copy(ones_v, deg_sh.at[idx_rows(sidx_v, p)], add=True)
                issue_gather(p + jnp.int32(2), b)
            return carry

        lax.fori_loop(jnp.int32(0), jnp.int32(_STEPS_HALF), body, jnp.int32(0))
        wait_gather(0)
        wait_gather(1)
        plsc.subcore_barrier()

        out0 = pl.multiple_of(c * jnp.int32(_N_PAD) + r0, _ROWS_PER_TILE)
        pltpu.sync_copy(acc_sh.at[pl.ds(r0, _ROWS_PER_TILE)], s_out.at[pl.ds(out0, _ROWS_PER_TILE)])
        if with_deg:
            pltpu.sync_copy(deg_sh.at[pl.ds(r0, _ROWS_PER_TILE)], deg_out.at[pl.ds(out0, _ROWS_PER_TILE)])

    return k(htab, gidx, sidx, z2, z1)



_TC_ROWS = 5120
_DIRBLKS = _N_PAD // _TC_ROWS
_TC_GRID = (_NC * _DIRBLKS,)

_DN = (((1,), (1,)), ((), ()))
_PREC = lax.Precision.DEFAULT


def _tc_body(s_ref, h_ref, deg_ref, W1, W2, mb, Wih, Whh, bih, bhh, out_ref):
    S = s_ref[...]
    hh = h_ref[...]
    dg = deg_ref[...]
    msg_self = lax.dot_general(hh, W2[0], _DN, precision=_PREC) + mb[0]
    aggr = lax.dot_general(S, W1[0], _DN, precision=_PREC) + dg * msg_self

    def mm(x, W, k):
        return lax.dot_general(x, W[0, k * HID:(k + 1) * HID], _DN, precision=_PREC)

    r = jax.nn.sigmoid(mm(aggr, Wih, 0) + bih[0, 0:1] + mm(hh, Whh, 0) + bhh[0, 0:1])
    z = jax.nn.sigmoid(mm(aggr, Wih, 1) + bih[0, 1:2] + mm(hh, Whh, 1) + bhh[0, 1:2])
    n = jnp.tanh(mm(aggr, Wih, 2) + bih[0, 2:3] + r * (mm(hh, Whh, 2) + bhh[0, 2:3]))
    out_ref[...] = (1.0 - z) * n + z * hh


def _rows(i):
    return (i, i * 0)


def _dirw(i):
    return (i // _DIRBLKS, i * 0, i * 0)


_W_SHAPES = [(NDIM, HID), (NDIM, HID), (1, NDIM), (3 * HID, NDIM), (3 * HID, HID), (3, HID), (3, HID)]

_TC_IN_SPECS = (
    [pl.BlockSpec((_TC_ROWS, HID), _rows),
     pl.BlockSpec((_TC_ROWS, HID), _rows),
     pl.BlockSpec((_TC_ROWS, 1), _rows)]
    + [pl.BlockSpec((1,) + shp, _dirw) for shp in _W_SHAPES]
)
_TC_OUT_SPECS = pl.BlockSpec((_TC_ROWS, HID), _rows)
_TC_OUT_SHAPE = jax.ShapeDtypeStruct((_NC * _N_PAD, HID), jnp.float32)


def _tc_layer(s, htab, deg, ws):
    return pl.pallas_call(
        _tc_body,
        grid=_TC_GRID,
        in_specs=_TC_IN_SPECS,
        out_specs=_TC_OUT_SPECS,
        out_shape=_TC_OUT_SHAPE,
    )(s, htab, deg, *ws)


def _prep_weights(fw, bw):
    def stack(f, b):
        return jnp.stack([f, b])
    f_msg_W, f_msg_b, f_Wih, f_Whh, f_bih, f_bhh = fw
    b_msg_W, b_msg_b, b_Wih, b_Whh, b_bih, b_bhh = bw
    return (
        stack(f_msg_W[:, :HID], b_msg_W[:, :HID]),
        stack(f_msg_W[:, HID:], b_msg_W[:, HID:]),
        stack(f_msg_b.reshape(1, NDIM), b_msg_b.reshape(1, NDIM)),
        stack(f_Wih, b_Wih),
        stack(f_Whh, b_Whh),
        stack(f_bih.reshape(3, HID), b_bih.reshape(3, HID)),
        stack(f_bhh.reshape(3, HID), b_bhh.reshape(3, HID)),
    )


def kernel(h, edge_index, fwd_msg_W, fwd_msg_b, fwd_Wih, fwd_Whh, fwd_bih, fwd_bhh,
           bwd_msg_W, bwd_msg_b, bwd_Wih, bwd_Whh, bwd_bih, bwd_bhh):
    h = h.astype(jnp.float32)
    src = edge_index[0].astype(jnp.int32)
    dst = edge_index[1].astype(jnp.int32)
    pad_idx = (jnp.arange(_E_PAD - N_EDGES, dtype=jnp.int32) % (_N_PAD - N_NODES)) + N_NODES
    srcp = jnp.concatenate([src, pad_idx]).reshape(_E_ROWS, _CHUNK)
    dstp = jnp.concatenate([dst, pad_idx]).reshape(_E_ROWS, _CHUNK)
    gidx = jnp.concatenate([srcp, dstp + jnp.int32(_N_PAD)], axis=0)
    sidx = jnp.concatenate([dstp, srcp], axis=0)
    htab = jnp.concatenate([
        jnp.pad(h[:, :HID], ((0, _N_PAD - N_NODES), (0, 0))),
        jnp.pad(h[:, HID:], ((0, _N_PAD - N_NODES), (0, 0))),
    ], axis=0)
    z2 = jnp.zeros((_ROWS_PER_TILE, HID), jnp.float32)
    z1 = jnp.zeros((_ROWS_PER_TILE,), jnp.float32)

    ws = [_prep_weights((fwd_msg_W[l], fwd_msg_b[l], fwd_Wih[l], fwd_Whh[l], fwd_bih[l], fwd_bhh[l]),
                        (bwd_msg_W[l], bwd_msg_b[l], bwd_Wih[l], bwd_Whh[l], bwd_bih[l], bwd_bhh[l]))
          for l in range(2)]

    res = _sc_segment_sums(htab, gidx, sidx, z2, z1, with_deg=True)
    deg_col = res[1].reshape(_NC * _N_PAD, 1)
    htab = _tc_layer(res[0], htab, deg_col, ws[0])
    res = _sc_segment_sums(htab, gidx, sidx, z2, z1, with_deg=False)
    htab = _tc_layer(res[0], htab, deg_col, ws[1])
    return jnp.concatenate([htab[:N_NODES], htab[_N_PAD:_N_PAD + N_NODES]], axis=1)

# --- scband reference (transcript-rebuilt; emitter-appended) ---
"""Pipeline reference for scband-node-emb-upd-25563645346107 (READ-ONLY COPY).

The authoritative reference and input builder live on the scoring server;
editing this copy changes nothing except your own understanding.
"""

import jax, jax.numpy as jnp
import numpy as np
jax.config.update("jax_enable_x64", True)

NDIM = 128
HID = NDIM // 2
NUM_LAYERS = 2
N_NODES = 10000
N_EDGES = 320000


def setup_inputs(seed: int = 0) -> dict:
    key = jax.random.key(seed)
    ks = jax.random.split(key, 20)
    h = jax.random.normal(ks[0], (N_NODES, NDIM), dtype=jnp.float32)
    edge_index = jax.random.randint(ks[1], (2, N_EDGES), 0, N_NODES, dtype=jnp.int64)
    s = 0.05

    def p(k, shape):
        return jax.random.normal(k, shape, dtype=jnp.float32) * s

    inp = {"h": h, "edge_index": edge_index}
    i = 2
    for nm in ["fwd", "bwd"]:
        inp[nm + "_msg_W"] = p(ks[i], (NUM_LAYERS, NDIM, NDIM)); i += 1
        inp[nm + "_msg_b"] = p(ks[i], (NUM_LAYERS, NDIM)); i += 1
        inp[nm + "_Wih"] = p(ks[i], (NUM_LAYERS, 3 * HID, NDIM)); i += 1
        inp[nm + "_Whh"] = p(ks[i], (NUM_LAYERS, 3 * HID, HID)); i += 1
        inp[nm + "_bih"] = p(ks[i], (NUM_LAYERS, 3 * HID)); i += 1
        inp[nm + "_bhh"] = p(ks[i], (NUM_LAYERS, 3 * HID)); i += 1
    return inp


def _gru_cell(x, hid, Wih, Whh, bih, bhh):
    # PyTorch GRUCell semantics, gate order (r, z, n)
    gi = x @ Wih.T + bih
    gh = hid @ Whh.T + bhh
    i_r, i_z, i_n = jnp.split(gi, 3, axis=1)
    h_r, h_z, h_n = jnp.split(gh, 3, axis=1)
    r = jax.nn.sigmoid(i_r + h_r)
    z = jax.nn.sigmoid(i_z + h_z)
    n = jnp.tanh(i_n + r * h_n)
    return (1.0 - z) * n + z * hid


def _gnn_layer(edge_index, hid, msg_W, msg_b, Wih, Whh, bih, bhh):
    # MessagePassing(aggr='add'), flow source_to_target:
    # h_j = h[src], h_i = h[dst]; messages scatter-added onto dst nodes.
    src = edge_index[0]
    dst = edge_index[1]
    h_j = hid[src]
    h_i = hid[dst]
    m = jnp.concatenate([h_j, h_i], axis=1)
    a = m @ msg_W.T + msg_b
    aggr = jax.ops.segment_sum(a, dst, num_segments=hid.shape[0])
    return _gru_cell(aggr, hid, Wih, Whh, bih, bhh)


def reference(h, edge_index, fwd_msg_W, fwd_msg_b, fwd_Wih, fwd_Whh, fwd_bih, fwd_bhh, bwd_msg_W, bwd_msg_b, bwd_Wih, bwd_Whh, bwd_bih, bwd_bhh):
    # h.size(1) == ndim -> split into forward/backward halves
    h_f = h[:, :HID]
    h_b = h[:, HID:]
    # dropout p=0.0 (identity)
    for l in range(NUM_LAYERS):
        h_f = _gnn_layer(edge_index, h_f, fwd_msg_W[l], fwd_msg_b[l], fwd_Wih[l], fwd_Whh[l], fwd_bih[l], fwd_bhh[l])
    rev = jnp.stack([edge_index[1], edge_index[0]], axis=0)
    for l in range(NUM_LAYERS):
        h_b = _gnn_layer(rev, h_b, bwd_msg_W[l], bwd_msg_b[l], bwd_Wih[l], bwd_Whh[l], bwd_bih[l], bwd_bhh[l])
    return jnp.concatenate([h_f, h_b], axis=1)

if __name__ == "__main__":
    import jax
    _d = setup_inputs()
    print(jax.jit(kernel)(*tuple(_d.values())))

</pallas_src>

<mosaic_0001>
#map = affine_map<(d0, d1) -> (0, 0)>
#map1 = affine_map<(d0, d1) -> (0)>
module attributes {stable_mosaic.version = 14 : i64} {
  func.func @k(%arg0: i32, %arg1: i32, %arg2: memref<20480x64xf32, #tpu.memory_space<hbm>>, %arg3: memref<2560x256xi32, #tpu.memory_space<hbm>>, %arg4: memref<2560x256xi32, #tpu.memory_space<hbm>>, %arg5: memref<640x64xf32, #tpu.memory_space<hbm>>, %arg6: memref<640xf32, #tpu.memory_space<hbm>>, %arg7: memref<20480x64xf32, #tpu.memory_space<hbm>>, %arg8: memref<20480xf32, #tpu.memory_space<hbm>>, %arg9: memref<10240x64xf32, #tpu.memory_space<vmem_shared>>, %arg10: memref<80x256xi32, #tpu.memory_space<vmem>>, %arg11: memref<80x256xi32, #tpu.memory_space<vmem>>, %arg12: memref<2x256x64xf32, #tpu.memory_space<vmem>>, %arg13: memref<!tpu.dma_semaphore, #tpu.memory_space<semaphore_mem>>, %arg14: memref<!tpu.dma_semaphore, #tpu.memory_space<semaphore_mem>>, %arg15: memref<10240xf32, #tpu.memory_space<vmem_shared>>, %arg16: memref<256xf32, #tpu.memory_space<vmem>>) attributes {dimension_semantics = [#tpu.dimension_semantics<core_parallel>, #tpu.dimension_semantics<subcore_parallel>], iteration_bounds = array<i64: 2, 16>, scalar_prefetch = 0 : i64, scratch_operands = 8 : i64, tpu.core_type = #tpu.core_type<sc_vector_subcore>, window_params = [{transform_indices = #map}, {transform_indices = #map}, {transform_indices = #map}, {transform_indices = #map}, {transform_indices = #map1}, {transform_indices = #map}, {transform_indices = #map1}]} {
    %mul3A = arith.constant 640 : i32
    %mul3A_0 = arith.muli %arg1, %mul3A : i32
    "tpu.region"() ({
      %run_scoped3A = tpu.sem_alloc : memref<!tpu.dma_semaphore, #tpu.memory_space<semaphore_mem>>
      %dma_start3A_164 = arith.constant 0 : i32
      %dma_start3A_165 = tpu.memref_slice %arg9[%mul3A_0, %dma_start3A_164] : memref<10240x64xf32, #tpu.memory_space<vmem_shared>> -> memref<640x64xf32, #tpu.memory_space<vmem_shared>>
      tpu.enqueue_dma source(%arg5 : memref<640x64xf32, #tpu.memory_space<hbm>>) target(%dma_start3A_165 : memref<640x64xf32, #tpu.memory_space<vmem_shared>>) target_semaphore(%run_scoped3A : memref<!tpu.dma_semaphore, #tpu.memory_space<semaphore_mem>>)
      %dma_wait3A_166 = arith.constant 0 : i32
      %dma_wait3A_167 = tpu.memref_slice %arg9[%mul3A_0, %dma_wait3A_166] : memref<10240x64xf32, #tpu.memory_space<vmem_shared>> -> memref<640x64xf32, #tpu.memory_space<vmem_shared>>
      tpu.wait_dma2 semaphore(%run_scoped3A : memref<!tpu.dma_semaphore, #tpu.memory_space<semaphore_mem>>) src(%arg5 : memref<640x64xf32, #tpu.memory_space<hbm>>) dst(%dma_wait3A_167 : memref<640x64xf32, #tpu.memory_space<vmem_shared>>)
      tpu.yield
    }) : () -> ()
    "tpu.region"() ({
      %run_scoped3A = tpu.sem_alloc : memref<!tpu.dma_semaphore, #tpu.memory_space<semaphore_mem>>
      %dma_start3A_164 = tpu.memref_slice %arg15[%mul3A_0] : memref<10240xf32, #tpu.memory_space<vmem_shared>> -> memref<640xf32, #tpu.memory_space<vmem_shared>>
      tpu.enqueue_dma source(%arg6 : memref<640xf32, #tpu.memory_space<hbm>>) target(%dma_start3A_164 : memref<640xf32, #tpu.memory_space<vmem_shared>>) target_semaphore(%run_scoped3A : memref<!tpu.dma_semaphore, #tpu.memory_space<semaphore_mem>>)
      %dma_wait3A_165 = tpu.memref_slice %arg15[%mul3A_0] : memref<10240xf32, #tpu.memory_space<vmem_shared>> -> memref<640xf32, #tpu.memory_space<vmem_shared>>
      tpu.wait_dma2 semaphore(%run_scoped3A : memref<!tpu.dma_semaphore, #tpu.memory_space<semaphore_mem>>) src(%arg6 : memref<640xf32, #tpu.memory_space<hbm>>) dst(%dma_wait3A_165 : memref<640xf32, #tpu.memory_space<vmem_shared>>)
      tpu.yield
    }) : () -> ()
    %broadcast_in_dim3A = arith.constant 1.000000e+00 : f32
    %broadcast_in_dim3A_1 = vector.broadcast %broadcast_in_dim3A : f32 to vector<16xf32>
    %swap3A = arith.constant 0 : index
    %swap3A_2 = tpu.vector_load %arg16[%swap3A] {strides = array<i32>} : memref<256xf32, #tpu.memory_space<vmem>>, vector<16xf32>,
    %swap3A_3 = vector.shape_cast %swap3A_2 : vector<16xf32> to vector<16xf32>
    %swap3A_4 = vector.shape_cast %broadcast_in_dim3A_1 : vector<16xf32> to vector<16xf32>
    tpu.vector_store %arg16[%swap3A], %swap3A_4 {strides = array<i32>} : memref<256xf32, #tpu.memory_space<vmem>>, vector<16xf32>,
    %broadcast_in_dim3A_5 = arith.constant 1.000000e+00 : f32
    %broadcast_in_dim3A_6 = vector.broadcast %broadcast_in_dim3A_5 : f32 to vector<16xf32>
    %swap3A_7 = arith.constant 16 : index
    %swap3A_8 = tpu.vector_load %arg16[%swap3A_7] {strides = array<i32>} : memref<256xf32, #tpu.memory_space<vmem>>, vector<16xf32>,
    %swap3A_9 = vector.shape_cast %swap3A_8 : vector<16xf32> to vector<16xf32>
    %swap3A_10 = vector.shape_cast %broadcast_in_dim3A_6 : vector<16xf32> to vector<16xf32>
    tpu.vector_store %arg16[%swap3A_7], %swap3A_10 {strides = array<i32>} : memref<256xf32, #tpu.memory_space<vmem>>, vector<16xf32>,
    %broadcast_in_dim3A_11 = arith.constant 1.000000e+00 : f32
    %broadcast_in_dim3A_12 = vector.broadcast %broadcast_in_dim3A_11 : f32 to vector<16xf32>
    %swap3A_13 = arith.constant 32 : index
    %swap3A_14 = tpu.vector_load %arg16[%swap3A_13] {strides = array<i32>} : memref<256xf32, #tpu.memory_space<vmem>>, vector<16xf32>,
    %swap3A_15 = vector.shape_cast %swap3A_14 : vector<16xf32> to vector<16xf32>
    %swap3A_16 = vector.shape_cast %broadcast_in_dim3A_12 : vector<16xf32> to vector<16xf32>
    tpu.vector_store %arg16[%swap3A_13], %swap3A_16 {strides = array<i32>} : memref<256xf32, #tpu.memory_space<vmem>>, vector<16xf32>,
    %broadcast_in_dim3A_17 = arith.constant 1.000000e+00 : f32
    %broadcast_in_dim3A_18 = vector.broadcast %broadcast_in_dim3A_17 : f32 to vector<16xf32>
    %swap3A_19 = arith.constant 48 : index
    %swap3A_20 = tpu.vector_load %arg16[%swap3A_19] {strides = array<i32>} : memref<256xf32, #tpu.memory_space<vmem>>, vector<16xf32>,
    %swap3A_21 = vector.shape_cast %swap3A_20 : vector<16xf32> to vector<16xf32>
    %swap3A_22 = vector.shape_cast %broadcast_in_dim3A_18 : vector<16xf32> to vector<16xf32>
    tpu.vector_store %arg16[%swap3A_19], %swap3A_22 {strides = array<i32>} : memref<256xf32, #tpu.memory_space<vmem>>, vector<16xf32>,
    %broadcast_in_dim3A_23 = arith.constant 1.000000e+00 : f32
    %broadcast_in_dim3A_24 = vector.broadcast %broadcast_in_dim3A_23 : f32 to vector<16xf32>
    %swap3A_25 = arith.constant 64 : index
    %swap3A_26 = tpu.vector_load %arg16[%swap3A_25] {strides = array<i32>} : memref<256xf32, #tpu.memory_space<vmem>>, vector<16xf32>,
    %swap3A_27 = vector.shape_cast %swap3A_26 : vector<16xf32> to vector<16xf32>
    %swap3A_28 = vector.shape_cast %broadcast_in_dim3A_24 : vector<16xf32> to vector<16xf32>
    tpu.vector_store %arg16[%swap3A_25], %swap3A_28 {strides = array<i32>} : memref<256xf32, #tpu.memory_space<vmem>>, vector<16xf32>,
    %broadcast_in_dim3A_29 = arith.constant 1.000000e+00 : f32
    %broadcast_in_dim3A_30 = vector.broadcast %broadcast_in_dim3A_29 : f32 to vector<16xf32>
    %swap3A_31 = arith.constant 80 : index
    %swap3A_32 = tpu.vector_load %arg16[%swap3A_31] {strides = array<i32>} : memref<256xf32, #tpu.memory_space<vmem>>, vector<16xf32>,
    %swap3A_33 = vector.shape_cast %swap3A_32 : vector<16xf32> to vector<16xf32>
    %swap3A_34 = vector.shape_cast %broadcast_in_dim3A_30 : vector<16xf32> to vector<16xf32>
    tpu.vector_store %arg16[%swap3A_31], %swap3A_34 {strides = array<i32>} : memref<256xf32, #tpu.memory_space<vmem>>, vector<16xf32>,
    %broadcast_in_dim3A_35 = arith.constant 1.000000e+00 : f32
    %broadcast_in_dim3A_36 = vector.broadcast %broadcast_in_dim3A_35 : f32 to vector<16xf32>
    %swap3A_37 = arith.constant 96 : index
    %swap3A_38 = tpu.vector_load %arg16[%swap3A_37] {strides = array<i32>} : memref<256xf32, #tpu.memory_space<vmem>>, vector<16xf32>,
    %swap3A_39 = vector.shape_cast %swap3A_38 : vector<16xf32> to vector<16xf32>
    %swap3A_40 = vector.shape_cast %broadcast_in_dim3A_36 : vector<16xf32> to vector<16xf32>
    tpu.vector_store %arg16[%swap3A_37], %swap3A_40 {strides = array<i32>} : memref<256xf32, #tpu.memory_space<vmem>>, vector<16xf32>,
    %broadcast_in_dim3A_41 = arith.constant 1.000000e+00 : f32
    %broadcast_in_dim3A_42 = vector.broadcast %broadcast_in_dim3A_41 : f32 to vector<16xf32>
    %swap3A_43 = arith.constant 112 : index
    %swap3A_44 = tpu.vector_load %arg16[%swap3A_43] {strides = array<i32>} : memref<256xf32, #tpu.memory_space<vmem>>, vector<16xf32>,
    %swap3A_45 = vector.shape_cast %swap3A_44 : vector<16xf32> to vector<16xf32>
    %swap3A_46 = vector.shape_cast %broadcast_in_dim3A_42 : vector<16xf32> to vector<16xf32>
    tpu.vector_store %arg16[%swap3A_43], %swap3A_46 {strides = array<i32>} : memref<256xf32, #tpu.memory_space<vmem>>, vector<16xf32>,
    %broadcast_in_dim3A_47 = arith.constant 1.000000e+00 : f32
    %broadcast_in_dim3A_48 = vector.broadcast %broadcast_in_dim3A_47 : f32 to vector<16xf32>
    %swap3A_49 = arith.constant 128 : index
    %swap3A_50 = tpu.vector_load %arg16[%swap3A_49] {strides = array<i32>} : memref<256xf32, #tpu.memory_space<vmem>>, vector<16xf32>,
    %swap3A_51 = vector.shape_cast %swap3A_50 : vector<16xf32> to vector<16xf32>
    %swap3A_52 = vector.shape_cast %broadcast_in_dim3A_48 : vector<16xf32> to vector<16xf32>
    tpu.vector_store %arg16[%swap3A_49], %swap3A_52 {strides = array<i32>} : memref<256xf32, #tpu.memory_space<vmem>>, vector<16xf32>,
    %broadcast_in_dim3A_53 = arith.constant 1.000000e+00 : f32
    %broadcast_in_dim3A_54 = vector.broadcast %broadcast_in_dim3A_53 : f32 to vector<16xf32>
    %swap3A_55 = arith.constant 144 : index
    %swap3A_56 = tpu.vector_load %arg16[%swap3A_55] {strides = array<i32>} : memref<256xf32, #tpu.memory_space<vmem>>, vector<16xf32>,
    %swap3A_57 = vector.shape_cast %swap3A_56 : vector<16xf32> to vector<16xf32>
    %swap3A_58 = vector.shape_cast %broadcast_in_dim3A_54 : vector<16xf32> to vector<16xf32>
    tpu.vector_store %arg16[%swap3A_55], %swap3A_58 {strides = array<i32>} : memref<256xf32, #tpu.memory_space<vmem>>, vector<16xf32>,
    %broadcast_in_dim3A_59 = arith.constant 1.000000e+00 : f32
    %broadcast_in_dim3A_60 = vector.broadcast %broadcast_in_dim3A_59 : f32 to vector<16xf32>
    %swap3A_61 = arith.constant 160 : index
    %swap3A_62 = tpu.vector_load %arg16[%swap3A_61] {strides = array<i32>} : memref<256xf32, #tpu.memory_space<vmem>>, vector<16xf32>,
    %swap3A_63 = vector.shape_cast %swap3A_62 : vector<16xf32> to vector<16xf32>
    %swap3A_64 = vector.shape_cast %broadcast_in_dim3A_60 : vector<16xf32> to vector<16xf32>
    tpu.vector_store %arg16[%swap3A_61], %swap3A_64 {strides = array<i32>} : memref<256xf32, #tpu.memory_space<vmem>>, vector<16xf32>,
    %broadcast_in_dim3A_65 = arith.constant 1.000000e+00 : f32
    %broadcast_in_dim3A_66 = vector.broadcast %broadcast_in_dim3A_65 : f32 to vector<16xf32>
    %swap3A_67 = arith.constant 176 : index
    %swap3A_68 = tpu.vector_load %arg16[%swap3A_67] {strides = array<i32>} : memref<256xf32, #tpu.memory_space<vmem>>, vector<16xf32>,
    %swap3A_69 = vector.shape_cast %swap3A_68 : vector<16xf32> to vector<16xf32>
    %swap3A_70 = vector.shape_cast %broadcast_in_dim3A_66 : vector<16xf32> to vector<16xf32>
    tpu.vector_store %arg16[%swap3A_67], %swap3A_70 {strides = array<i32>} : memref<256xf32, #tpu.memory_space<vmem>>, vector<16xf32>,
    %broadcast_in_dim3A_71 = arith.constant 1.000000e+00 : f32
    %broadcast_in_dim3A_72 = vector.broadcast %broadcast_in_dim3A_71 : f32 to vector<16xf32>
    %swap3A_73 = arith.constant 192 : index
    %swap3A_74 = tpu.vector_load %arg16[%swap3A_73] {strides = array<i32>} : memref<256xf32, #tpu.memory_space<vmem>>, vector<16xf32>,
    %swap3A_75 = vector.shape_cast %swap3A_74 : vector<16xf32> to vector<16xf32>
    %swap3A_76 = vector.shape_cast %broadcast_in_dim3A_72 : vector<16xf32> to vector<16xf32>
    tpu.vector_store %arg16[%swap3A_73], %swap3A_76 {strides = array<i32>} : memref<256xf32, #tpu.memory_space<vmem>>, vector<16xf32>,
    %broadcast_in_dim3A_77 = arith.constant 1.000000e+00 : f32
    %broadcast_in_dim3A_78 = vector.broadcast %broadcast_in_dim3A_77 : f32 to vector<16xf32>
    %swap3A_79 = arith.constant 208 : index
    %swap3A_80 = tpu.vector_load %arg16[%swap3A_79] {strides = array<i32>} : memref<256xf32, #tpu.memory_space<vmem>>, vector<16xf32>,
    %swap3A_81 = vector.shape_cast %swap3A_80 : vector<16xf32> to vector<16xf32>
    %swap3A_82 = vector.shape_cast %broadcast_in_dim3A_78 : vector<16xf32> to vector<16xf32>
    tpu.vector_store %arg16[%swap3A_79], %swap3A_82 {strides = array<i32>} : memref<256xf32, #tpu.memory_space<vmem>>, vector<16xf32>,
    %broadcast_in_dim3A_83 = arith.constant 1.000000e+00 : f32
    %broadcast_in_dim3A_84 = vector.broadcast %broadcast_in_dim3A_83 : f32 to vector<16xf32>
    %swap3A_85 = arith.constant 224 : index
    %swap3A_86 = tpu.vector_load %arg16[%swap3A_85] {strides = array<i32>} : memref<256xf32, #tpu.memory_space<vmem>>, vector<16xf32>,
    %swap3A_87 = vector.shape_cast %swap3A_86 : vector<16xf32> to vector<16xf32>
    %swap3A_88 = vector.shape_cast %broadcast_in_dim3A_84 : vector<16xf32> to vector<16xf32>
    tpu.vector_store %arg16[%swap3A_85], %swap3A_88 {strides = array<i32>} : memref<256xf32, #tpu.memory_space<vmem>>, vector<16xf32>,
    %broadcast_in_dim3A_89 = arith.constant 1.000000e+00 : f32
    %broadcast_in_dim3A_90 = vector.broadcast %broadcast_in_dim3A_89 : f32 to vector<16xf32>
    %swap3A_91 = arith.constant 240 : index
    %swap3A_92 = tpu.vector_load %arg16[%swap3A_91] {strides = array<i32>} : memref<256xf32, #tpu.memory_space<vmem>>, vector<16xf32>,
    %swap3A_93 = vector.shape_cast %swap3A_92 : vector<16xf32> to vector<16xf32>
    %swap3A_94 = vector.shape_cast %broadcast_in_dim3A_90 : vector<16xf32> to vector<16xf32>
    tpu.vector_store %arg16[%swap3A_91], %swap3A_94 {strides = array<i32>} : memref<256xf32, #tpu.memory_space<vmem>>, vector<16xf32>,
    %mul3A_95 = arith.constant 1280 : i32
    %mul3A_96 = arith.muli %arg0, %mul3A_95 : i32
    %mul3A_97 = arith.constant 80 : i32
    %mul3A_98 = arith.muli %arg1, %mul3A_97 : i32
    %add3A = arith.addi %mul3A_96, %mul3A_98 : i32
    %multiple_of3A = tpu.assume_multiple %add3A, 80 : i32
    "tpu.region"() ({
      %run_scoped3A = tpu.sem_alloc : memref<!tpu.dma_semaphore, #tpu.memory_space<semaphore_mem>>
      %dma_start3A_164 = arith.constant 0 : i32
      %dma_start3A_165 = tpu.memref_slice %arg3[%multiple_of3A, %dma_start3A_164] : memref<2560x256xi32, #tpu.memory_space<hbm>> -> memref<80x256xi32, #tpu.memory_space<hbm>>
      %dma_start3A_166 = arith.constant 0 : i32
      %dma_start3A_167 = tpu.memref_slice %arg3[%multiple_of3A, %dma_start3A_166] : memref<2560x256xi32, #tpu.memory_space<hbm>> -> memref<80x256xi32, #tpu.memory_space<hbm>>
      tpu.enqueue_dma source(%dma_start3A_167 : memref<80x256xi32, #tpu.memory_space<hbm>>) target(%arg10 : memref<80x256xi32, #tpu.memory_space<vmem>>) target_semaphore(%run_scoped3A : memref<!tpu.dma_semaphore, #tpu.memory_space<semaphore_mem>>)
      %dma_wait3A_168 = arith.constant 0 : i32
      %dma_wait3A_169 = tpu.memref_slice %arg3[%multiple_of3A, %dma_wait3A_168] : memref<2560x256xi32, #tpu.memory_space<hbm>> -> memref<80x256xi32, #tpu.memory_space<hbm>>
      %dma_wait3A_170 = arith.constant 0 : i32
      %dma_wait3A_171 = tpu.memref_slice %arg3[%multiple_of3A, %dma_wait3A_170] : memref<2560x256xi32, #tpu.memory_space<hbm>> -> memref<80x256xi32, #tpu.memory_space<hbm>>
      tpu.wait_dma2 semaphore(%run_scoped3A : memref<!tpu.dma_semaphore, #tpu.memory_space<semaphore_mem>>) src(%dma_wait3A_171 : memref<80x256xi32, #tpu.memory_space<hbm>>) dst(%arg10 : memref<80x256xi32, #tpu.memory_space<vmem>>)
      tpu.yield
    }) : () -> ()
    "tpu.region"() ({
      %run_scoped3A = tpu.sem_alloc : memref<!tpu.dma_semaphore, #tpu.memory_space<semaphore_mem>>
      %dma_start3A_164 = arith.constant 0 : i32
      %dma_start3A_165 = tpu.memref_slice %arg4[%multiple_of3A, %dma_start3A_164] : memref<2560x256xi32, #tpu.memory_space<hbm>> -> memref<80x256xi32, #tpu.memory_space<hbm>>
      %dma_start3A_166 = arith.constant 0 : i32
      %dma_start3A_167 = tpu.memref_slice %arg4[%multiple_of3A, %dma_start3A_166] : memref<2560x256xi32, #tpu.memory_space<hbm>> -> memref<80x256xi32, #tpu.memory_space<hbm>>
      tpu.enqueue_dma source(%dma_start3A_167 : memref<80x256xi32, #tpu.memory_space<hbm>>) target(%arg11 : memref<80x256xi32, #tpu.memory_space<vmem>>) target_semaphore(%run_scoped3A : memref<!tpu.dma_semaphore, #tpu.memory_space<semaphore_mem>>)
      %dma_wait3A_168 = arith.constant 0 : i32
      %dma_wait3A_169 = tpu.memref_slice %arg4[%multiple_of3A, %dma_wait3A_168] : memref<2560x256xi32, #tpu.memory_space<hbm>> -> memref<80x256xi32, #tpu.memory_space<hbm>>
      %dma_wait3A_170 = arith.constant 0 : i32
      %dma_wait3A_171 = tpu.memref_slice %arg4[%multiple_of3A, %dma_wait3A_170] : memref<2560x256xi32, #tpu.memory_space<hbm>> -> memref<80x256xi32, #tpu.memory_space<hbm>>
      tpu.wait_dma2 semaphore(%run_scoped3A : memref<!tpu.dma_semaphore, #tpu.memory_space<semaphore_mem>>) src(%dma_wait3A_171 : memref<80x256xi32, #tpu.memory_space<hbm>>) dst(%arg11 : memref<80x256xi32, #tpu.memory_space<vmem>>)
      tpu.yield
    }) : () -> ()
    %barrier3A = arith.constant 0 : index
    tpu.barrier barrier_id(%barrier3A)
    %min3A = arith.constant 0 : i32
    %min3A_99 = arith.constant 79 : i32
    %min3A_100 = arith.minsi %min3A, %min3A_99 : i32
    %dma_start3A = arith.constant 0 : i32
    %dma_start3A_101 = arith.constant 0 : i32
    %dma_start3A_102 = arith.constant 0 : i32
    %dma_start3A_103 = tpu.memref_slice %arg12[%dma_start3A, %dma_start3A_101, %dma_start3A_102] : memref<2x256x64xf32, #tpu.memory_space<vmem>> -> memref<1x256x64xf32, #tpu.memory_space<vmem>>
    %dma_start3A_104 = tpu.memref_squeeze %dma_start3A_103 : memref<1x256x64xf32, #tpu.memory_space<vmem>> -> memref<256x64xf32, #tpu.memory_space<vmem>>
    %dma_start3A_105 = arith.constant 0 : i32
    %dma_start3A_106 = tpu.memref_slice %arg10[%min3A_100, %dma_start3A_105] : memref<80x256xi32, #tpu.memory_space<vmem>> -> memref<1x256xi32, #tpu.memory_space<vmem>>
    %dma_start3A_107 = tpu.memref_squeeze %dma_start3A_106 : memref<1x256xi32, #tpu.memory_space<vmem>> -> memref<256xi32, #tpu.memory_space<vmem>>
    %dma_start3A_108 = arith.constant 0 : i32
    %dma_start3A_109 = arith.constant 0 : i32
    %dma_start3A_110 = tpu.memref_slice %arg2[%dma_start3A_108, %dma_start3A_109] : memref<20480x64xf32, #tpu.memory_space<hbm>> -> memref<20480x64xf32, #tpu.memory_space<hbm>>
    tpu.enqueue_indirect_dma source(%dma_start3A_110 : memref<20480x64xf32, #tpu.memory_space<hbm>>) target(%dma_start3A_104 : memref<256x64xf32, #tpu.memory_space<vmem>>) offsets(%dma_start3A_107 : memref<256xi32, #tpu.memory_space<vmem>>) semaphore(%arg13 : memref<!tpu.dma_semaphore, #tpu.memory_space<semaphore_mem>>)
    %min3A_111 = arith.constant 1 : i32
    %min3A_112 = arith.constant 79 : i32
    %min3A_113 = arith.minsi %min3A_111, %min3A_112 : i32
    %dma_start3A_114 = arith.constant 1 : i32
    %dma_start3A_115 = arith.constant 0 : i32
    %dma_start3A_116 = arith.constant 0 : i32
    %dma_start3A_117 = tpu.memref_slice %arg12[%dma_start3A_114, %dma_start3A_115, %dma_start3A_116] : memref<2x256x64xf32, #tpu.memory_space<vmem>> -> memref<1x256x64xf32, #tpu.memory_space<vmem>>
    %dma_start3A_118 = tpu.memref_squeeze %dma_start3A_117 : memref<1x256x64xf32, #tpu.memory_space<vmem>> -> memref<256x64xf32, #tpu.memory_space<vmem>>
    %dma_start3A_119 = arith.constant 0 : i32
    %dma_start3A_120 = tpu.memref_slice %arg10[%min3A_113, %dma_start3A_119] : memref<80x256xi32, #tpu.memory_space<vmem>> -> memref<1x256xi32, #tpu.memory_space<vmem>>
    %dma_start3A_121 = tpu.memref_squeeze %dma_start3A_120 : memref<1x256xi32, #tpu.memory_space<vmem>> -> memref<256xi32, #tpu.memory_space<vmem>>
    %dma_start3A_122 = arith.constant 0 : i32
    %dma_start3A_123 = arith.constant 0 : i32
    %dma_start3A_124 = tpu.memref_slice %arg2[%dma_start3A_122, %dma_start3A_123] : memref<20480x64xf32, #tpu.memory_space<hbm>> -> memref<20480x64xf32, #tpu.memory_space<hbm>>
    tpu.enqueue_indirect_dma source(%dma_start3A_124 : memref<20480x64xf32, #tpu.memory_space<hbm>>) target(%dma_start3A_118 : memref<256x64xf32, #tpu.memory_space<vmem>>) offsets(%dma_start3A_121 : memref<256xi32, #tpu.memory_space<vmem>>) semaphore(%arg14 : memref<!tpu.dma_semaphore, #tpu.memory_space<semaphore_mem>>)
    %while3A = arith.constant 0 : i32
    %while3A_125 = arith.constant 79 : i32
    %while3A_126 = arith.constant 0 : i32
    %while3A_127 = arith.constant 40 : i32
    %while3A_128 = arith.subi %while3A_127, %while3A_126 : i32
    %while3A_129 = arith.addi %while3A_126, %while3A_128 : i32
    %while3A_130 = arith.constant 1 : i32
    %while3A_131 = arith.divsi %while3A_128, %while3A_130 : i32
    %while3A_132 = arith.muli %while3A_131, %while3A_130 : i32
    %while3A_133 = arith.addi %while3A_126, %while3A_132 : i32
    %while3A_134 = arith.constant 1 : i32
    scf.for %while3A_164 = %while3A_126 to %while3A_133 step %while3A_134  : i32 {
      %mul3A_165 = arith.constant 2 : i32
      %mul3A_166 = arith.muli %while3A_164, %mul3A_165 : i32
      %add3A_167 = arith.constant 0 : i32
      %add3A_168 = arith.addi %mul3A_166, %add3A_167 : i32
      %dma_wait3A_169 = arith.constant 0 : i32
      %dma_wait3A_170 = arith.constant 0 : i32
      %dma_wait3A_171 = arith.constant 0 : i32
      %dma_wait3A_172 = arith.constant 0 : i32
      %dma_wait3A_173 = tpu.memref_slice %arg12[%dma_wait3A_170, %dma_wait3A_171, %dma_wait3A_172] : memref<2x256x64xf32, #tpu.memory_space<vmem>> -> memref<1x256x64xf32, #tpu.memory_space<vmem>>
      %dma_wait3A_174 = tpu.memref_squeeze %dma_wait3A_173 : memref<1x256x64xf32, #tpu.memory_space<vmem>> -> memref<256x64xf32, #tpu.memory_space<vmem>>
      %dma_wait3A_175 = arith.constant 0 : i32
      %dma_wait3A_176 = tpu.memref_slice %arg10[%dma_wait3A_169, %dma_wait3A_175] : memref<80x256xi32, #tpu.memory_space<vmem>> -> memref<1x256xi32, #tpu.memory_space<vmem>>
      %dma_wait3A_177 = tpu.memref_squeeze %dma_wait3A_176 : memref<1x256xi32, #tpu.memory_space<vmem>> -> memref<256xi32, #tpu.memory_space<vmem>>
      %dma_wait3A_178 = arith.constant 0 : i32
      %dma_wait3A_179 = arith.constant 0 : i32
      %dma_wait3A_180 = tpu.memref_slice %arg2[%dma_wait3A_178, %dma_wait3A_179] : memref<20480x64xf32, #tpu.memory_space<hbm>> -> memref<20480x64xf32, #tpu.memory_space<hbm>>
      tpu.wait_indirect_dma semaphore(%arg13 : memref<!tpu.dma_semaphore, #tpu.memory_space<semaphore_mem>>) src(%dma_wait3A_180 : memref<20480x64xf32, #tpu.memory_space<hbm>>) dst(%dma_wait3A_174 : memref<256x64xf32, #tpu.memory_space<vmem>>)
      %run_scoped3A = arith.constant 0 : i32
      "tpu.region"() ({
        %run_scoped3A_226 = tpu.sem_alloc : memref<!tpu.dma_semaphore, #tpu.memory_space<semaphore_mem>>
        %dma_start3A_227 = arith.constant 0 : i32
        %dma_start3A_228 = arith.constant 0 : i32
        %dma_start3A_229 = tpu.memref_slice %arg12[%run_scoped3A, %dma_start3A_227, %dma_start3A_228] : memref<2x256x64xf32, #tpu.memory_space<vmem>> -> memref<1x256x64xf32, #tpu.memory_space<vmem>>
        %dma_start3A_230 = tpu.memref_squeeze %dma_start3A_229 : memref<1x256x64xf32, #tpu.memory_space<vmem>> -> memref<256x64xf32, #tpu.memory_space<vmem>>
        %dma_start3A_231 = arith.constant 0 : i32
        %dma_start3A_232 = tpu.memref_slice %arg11[%add3A_168, %dma_start3A_231] : memref<80x256xi32, #tpu.memory_space<vmem>> -> memref<1x256xi32, #tpu.memory_space<vmem>>
        %dma_start3A_233 = tpu.memref_squeeze %dma_start3A_232 : memref<1x256xi32, #tpu.memory_space<vmem>> -> memref<256xi32, #tpu.memory_space<vmem>>
        %dma_start3A_234 = arith.constant 0 : i32
        %dma_start3A_235 = arith.constant 0 : i32
        %dma_start3A_236 = tpu.memref_slice %arg9[%dma_start3A_234, %dma_start3A_235] : memref<10240x64xf32, #tpu.memory_space<vmem_shared>> -> memref<10240x64xf32, #tpu.memory_space<vmem_shared>>
        tpu.enqueue_indirect_dma source(%dma_start3A_230 : memref<256x64xf32, #tpu.memory_space<vmem>>) target(%dma_start3A_236 : memref<10240x64xf32, #tpu.memory_space<vmem_shared>>) offsets(%dma_start3A_233 : memref<256xi32, #tpu.memory_space<vmem>>) semaphore(%run_scoped3A_226 : memref<!tpu.dma_semaphore, #tpu.memory_space<semaphore_mem>>) {add = true}
        %dma_wait3A_237 = arith.constant 0 : i32
        %dma_wait3A_238 = arith.constant 0 : i32
        %dma_wait3A_239 = tpu.memref_slice %arg12[%run_scoped3A, %dma_wait3A_237, %dma_wait3A_238] : memref<2x256x64xf32, #tpu.memory_space<vmem>> -> memref<1x256x64xf32, #tpu.memory_space<vmem>>
        %dma_wait3A_240 = tpu.memref_squeeze %dma_wait3A_239 : memref<1x256x64xf32, #tpu.memory_space<vmem>> -> memref<256x64xf32, #tpu.memory_space<vmem>>
        %dma_wait3A_241 = arith.constant 0 : i32
        %dma_wait3A_242 = tpu.memref_slice %arg11[%add3A_168, %dma_wait3A_241] : memref<80x256xi32, #tpu.memory_space<vmem>> -> memref<1x256xi32, #tpu.memory_space<vmem>>
        %dma_wait3A_243 = tpu.memref_squeeze %dma_wait3A_242 : memref<1x256xi32, #tpu.memory_space<vmem>> -> memref<256xi32, #tpu.memory_space<vmem>>
        %dma_wait3A_244 = arith.constant 0 : i32
        %dma_wait3A_245 = arith.constant 0 : i32
        %dma_wait3A_246 = tpu.memref_slice %arg9[%dma_wait3A_244, %dma_wait3A_245] : memref<10240x64xf32, #tpu.memory_space<vmem_shared>> -> memref<10240x64xf32, #tpu.memory_space<vmem_shared>>
        tpu.wait_indirect_dma semaphore(%run_scoped3A_226 : memref<!tpu.dma_semaphore, #tpu.memory_space<semaphore_mem>>) src(%dma_wait3A_240 : memref<256x64xf32, #tpu.memory_space<vmem>>) dst(%dma_wait3A_246 : memref<10240x64xf32, #tpu.memory_space<vmem_shared>>)
        tpu.yield
      }) : () -> ()
      "tpu.region"() ({
        %run_scoped3A_226 = tpu.sem_alloc : memref<!tpu.dma_semaphore, #tpu.memory_space<semaphore_mem>>
        %dma_start3A_227 = arith.constant 0 : i32
        %dma_start3A_228 = tpu.memref_slice %arg11[%add3A_168, %dma_start3A_227] : memref<80x256xi32, #tpu.memory_space<vmem>> -> memref<1x256xi32, #tpu.memory_space<vmem>>
        %dma_start3A_229 = tpu.memref_squeeze %dma_start3A_228 : memref<1x256xi32, #tpu.memory_space<vmem>> -> memref<256xi32, #tpu.memory_space<vmem>>
        %dma_start3A_230 = arith.constant 0 : i32
        %dma_start3A_231 = tpu.memref_slice %arg15[%dma_start3A_230] : memref<10240xf32, #tpu.memory_space<vmem_shared>> -> memref<10240xf32, #tpu.memory_space<vmem_shared>>
        tpu.enqueue_indirect_dma source(%arg16 : memref<256xf32, #tpu.memory_space<vmem>>) target(%dma_start3A_231 : memref<10240xf32, #tpu.memory_space<vmem_shared>>) offsets(%dma_start3A_229 : memref<256xi32, #tpu.memory_space<vmem>>) semaphore(%run_scoped3A_226 : memref<!tpu.dma_semaphore, #tpu.memory_space<semaphore_mem>>) {add = true}
        %dma_wait3A_232 = arith.constant 0 : i32
        %dma_wait3A_233 = tpu.memref_slice %arg11[%add3A_168, %dma_wait3A_232] : memref<80x256xi32, #tpu.memory_space<vmem>> -> memref<1x256xi32, #tpu.memory_space<vmem>>
        %dma_wait3A_234 = tpu.memref_squeeze %dma_wait3A_233 : memref<1x256xi32, #tpu.memory_space<vmem>> -> memref<256xi32, #tpu.memory_space<vmem>>
        %dma_wait3A_235 = arith.constant 0 : i32
        %dma_wait3A_236 = tpu.memref_slice %arg15[%dma_wait3A_235] : memref<10240xf32, #tpu.memory_space<vmem_shared>> -> memref<10240xf32, #tpu.memory_space<vmem_shared>>
        tpu.wait_indirect_dma semaphore(%run_scoped3A_226 : memref<!tpu.dma_semaphore, #tpu.memory_space<semaphore_mem>>) src(%arg16 : memref<256xf32, #tpu.memory_space<vmem>>) dst(%dma_wait3A_236 : memref<10240xf32, #tpu.memory_space<vmem_shared>>)
        tpu.yield
      }) : () -> ()
      %add3A_181 = arith.constant 2 : i32
      %add3A_182 = arith.addi %add3A_168, %add3A_181 : i32
      %min3A_183 = arith.minsi %add3A_182, %while3A_125 : i32
      %dma_start3A_184 = arith.constant 0 : i32
      %dma_start3A_185 = arith.constant 0 : i32
      %dma_start3A_186 = arith.constant 0 : i32
      %dma_start3A_187 = tpu.memref_slice %arg12[%dma_start3A_184, %dma_start3A_185, %dma_start3A_186] : memref<2x256x64xf32, #tpu.memory_space<vmem>> -> memref<1x256x64xf32, #tpu.memory_space<vmem>>
      %dma_start3A_188 = tpu.memref_squeeze %dma_start3A_187 : memref<1x256x64xf32, #tpu.memory_space<vmem>> -> memref<256x64xf32, #tpu.memory_space<vmem>>
      %dma_start3A_189 = arith.constant 0 : i32
      %dma_start3A_190 = tpu.memref_slice %arg10[%min3A_183, %dma_start3A_189] : memref<80x256xi32, #tpu.memory_space<vmem>> -> memref<1x256xi32, #tpu.memory_space<vmem>>
      %dma_start3A_191 = tpu.memref_squeeze %dma_start3A_190 : memref<1x256xi32, #tpu.memory_space<vmem>> -> memref<256xi32, #tpu.memory_space<vmem>>
      %dma_start3A_192 = arith.constant 0 : i32
      %dma_start3A_193 = arith.constant 0 : i32
      %dma_start3A_194 = tpu.memref_slice %arg2[%dma_start3A_192, %dma_start3A_193] : memref<20480x64xf32, #tpu.memory_space<hbm>> -> memref<20480x64xf32, #tpu.memory_space<hbm>>
      tpu.enqueue_indirect_dma source(%dma_start3A_194 : memref<20480x64xf32, #tpu.memory_space<hbm>>) target(%dma_start3A_188 : memref<256x64xf32, #tpu.memory_space<vmem>>) offsets(%dma_start3A_191 : memref<256xi32, #tpu.memory_space<vmem>>) semaphore(%arg13 : memref<!tpu.dma_semaphore, #tpu.memory_space<semaphore_mem>>)
      %mul3A_195 = arith.constant 2 : i32
      %mul3A_196 = arith.muli %while3A_164, %mul3A_195 : i32
      %add3A_197 = arith.constant 1 : i32
      %add3A_198 = arith.addi %mul3A_196, %add3A_197 : i32
      %dma_wait3A_199 = arith.constant 0 : i32
      %dma_wait3A_200 = arith.constant 1 : i32
      %dma_wait3A_201 = arith.constant 0 : i32
      %dma_wait3A_202 = arith.constant 0 : i32
      %dma_wait3A_203 = tpu.memref_slice %arg12[%dma_wait3A_200, %dma_wait3A_201, %dma_wait3A_202] : memref<2x256x64xf32, #tpu.memory_space<vmem>> -> memref<1x256x64xf32, #tpu.memory_space<vmem>>
      %dma_wait3A_204 = tpu.memref_squeeze %dma_wait3A_203 : memref<1x256x64xf32, #tpu.memory_space<vmem>> -> memref<256x64xf32, #tpu.memory_space<vmem>>
      %dma_wait3A_205 = arith.constant 0 : i32
      %dma_wait3A_206 = tpu.memref_slice %arg10[%dma_wait3A_199, %dma_wait3A_205] : memref<80x256xi32, #tpu.memory_space<vmem>> -> memref<1x256xi32, #tpu.memory_space<vmem>>
      %dma_wait3A_207 = tpu.memref_squeeze %dma_wait3A_206 : memref<1x256xi32, #tpu.memory_space<vmem>> -> memref<256xi32, #tpu.memory_space<vmem>>
      %dma_wait3A_208 = arith.constant 0 : i32
      %dma_wait3A_209 = arith.constant 0 : i32
      %dma_wait3A_210 = tpu.memref_slice %arg2[%dma_wait3A_208, %dma_wait3A_209] : memref<20480x64xf32, #tpu.memory_space<hbm>> -> memref<20480x64xf32, #tpu.memory_space<hbm>>
      tpu.wait_indirect_dma semaphore(%arg14 : memref<!tpu.dma_semaphore, #tpu.memory_space<semaphore_mem>>) src(%dma_wait3A_210 : memref<20480x64xf32, #tpu.memory_space<hbm>>) dst(%dma_wait3A_204 : memref<256x64xf32, #tpu.memory_space<vmem>>)
      %run_scoped3A_211 = arith.constant 1 : i32
      "tpu.region"() ({
        %run_scoped3A_226 = tpu.sem_alloc : memref<!tpu.dma_semaphore, #tpu.memory_space<semaphore_mem>>
        %dma_start3A_227 = arith.constant 0 : i32
        %dma_start3A_228 = arith.constant 0 : i32
        %dma_start3A_229 = tpu.memref_slice %arg12[%run_scoped3A_211, %dma_start3A_227, %dma_start3A_228] : memref<2x256x64xf32, #tpu.memory_space<vmem>> -> memref<1x256x64xf32, #tpu.memory_space<vmem>>
        %dma_start3A_230 = tpu.memref_squeeze %dma_start3A_229 : memref<1x256x64xf32, #tpu.memory_space<vmem>> -> memref<256x64xf32, #tpu.memory_space<vmem>>
        %dma_start3A_231 = arith.constant 0 : i32
        %dma_start3A_232 = tpu.memref_slice %arg11[%add3A_198, %dma_start3A_231] : memref<80x256xi32, #tpu.memory_space<vmem>> -> memref<1x256xi32, #tpu.memory_space<vmem>>
        %dma_start3A_233 = tpu.memref_squeeze %dma_start3A_232 : memref<1x256xi32, #tpu.memory_space<vmem>> -> memref<256xi32, #tpu.memory_space<vmem>>
        %dma_start3A_234 = arith.constant 0 : i32
        %dma_start3A_235 = arith.constant 0 : i32
        %dma_start3A_236 = tpu.memref_slice %arg9[%dma_start3A_234, %dma_start3A_235] : memref<10240x64xf32, #tpu.memory_space<vmem_shared>> -> memref<10240x64xf32, #tpu.memory_space<vmem_shared>>
        tpu.enqueue_indirect_dma source(%dma_start3A_230 : memref<256x64xf32, #tpu.memory_space<vmem>>) target(%dma_start3A_236 : memref<10240x64xf32, #tpu.memory_space<vmem_shared>>) offsets(%dma_start3A_233 : memref<256xi32, #tpu.memory_space<vmem>>) semaphore(%run_scoped3A_226 : memref<!tpu.dma_semaphore, #tpu.memory_space<semaphore_mem>>) {add = true}
        %dma_wait3A_237 = arith.constant 0 : i32
        %dma_wait3A_238 = arith.constant 0 : i32
        %dma_wait3A_239 = tpu.memref_slice %arg12[%run_scoped3A_211, %dma_wait3A_237, %dma_wait3A_238] : memref<2x256x64xf32, #tpu.memory_space<vmem>> -> memref<1x256x64xf32, #tpu.memory_space<vmem>>
        %dma_wait3A_240 = tpu.memref_squeeze %dma_wait3A_239 : memref<1x256x64xf32, #tpu.memory_space<vmem>> -> memref<256x64xf32, #tpu.memory_space<vmem>>
        %dma_wait3A_241 = arith.constant 0 : i32
        %dma_wait3A_242 = tpu.memref_slice %arg11[%add3A_198, %dma_wait3A_241] : memref<80x256xi32, #tpu.memory_space<vmem>> -> memref<1x256xi32, #tpu.memory_space<vmem>>
        %dma_wait3A_243 = tpu.memref_squeeze %dma_wait3A_242 : memref<1x256xi32, #tpu.memory_space<vmem>> -> memref<256xi32, #tpu.memory_space<vmem>>
        %dma_wait3A_244 = arith.constant 0 : i32
        %dma_wait3A_245 = arith.constant 0 : i32
        %dma_wait3A_246 = tpu.memref_slice %arg9[%dma_wait3A_244, %dma_wait3A_245] : memref<10240x64xf32, #tpu.memory_space<vmem_shared>> -> memref<10240x64xf32, #tpu.memory_space<vmem_shared>>
        tpu.wait_indirect_dma semaphore(%run_scoped3A_226 : memref<!tpu.dma_semaphore, #tpu.memory_space<semaphore_mem>>) src(%dma_wait3A_240 : memref<256x64xf32, #tpu.memory_space<vmem>>) dst(%dma_wait3A_246 : memref<10240x64xf32, #tpu.memory_space<vmem_shared>>)
        tpu.yield
      }) : () -> ()
      "tpu.region"() ({
        %run_scoped3A_226 = tpu.sem_alloc : memref<!tpu.dma_semaphore, #tpu.memory_space<semaphore_mem>>
        %dma_start3A_227 = arith.constant 0 : i32
        %dma_start3A_228 = tpu.memref_slice %arg11[%add3A_198, %dma_start3A_227] : memref<80x256xi32, #tpu.memory_space<vmem>> -> memref<1x256xi32, #tpu.memory_space<vmem>>
        %dma_start3A_229 = tpu.memref_squeeze %dma_start3A_228 : memref<1x256xi32, #tpu.memory_space<vmem>> -> memref<256xi32, #tpu.memory_space<vmem>>
        %dma_start3A_230 = arith.constant 0 : i32
        %dma_start3A_231 = tpu.memref_slice %arg15[%dma_start3A_230] : memref<10240xf32, #tpu.memory_space<vmem_shared>> -> memref<10240xf32, #tpu.memory_space<vmem_shared>>
        tpu.enqueue_indirect_dma source(%arg16 : memref<256xf32, #tpu.memory_space<vmem>>) target(%dma_start3A_231 : memref<10240xf32, #tpu.memory_space<vmem_shared>>) offsets(%dma_start3A_229 : memref<256xi32, #tpu.memory_space<vmem>>) semaphore(%run_scoped3A_226 : memref<!tpu.dma_semaphore, #tpu.memory_space<semaphore_mem>>) {add = true}
        %dma_wait3A_232 = arith.constant 0 : i32
        %dma_wait3A_233 = tpu.memref_slice %arg11[%add3A_198, %dma_wait3A_232] : memref<80x256xi32, #tpu.memory_space<vmem>> -> memref<1x256xi32, #tpu.memory_space<vmem>>
        %dma_wait3A_234 = tpu.memref_squeeze %dma_wait3A_233 : memref<1x256xi32, #tpu.memory_space<vmem>> -> memref<256xi32, #tpu.memory_space<vmem>>
        %dma_wait3A_235 = arith.constant 0 : i32
        %dma_wait3A_236 = tpu.memref_slice %arg15[%dma_wait3A_235] : memref<10240xf32, #tpu.memory_space<vmem_shared>> -> memref<10240xf32, #tpu.memory_space<vmem_shared>>
        tpu.wait_indirect_dma semaphore(%run_scoped3A_226 : memref<!tpu.dma_semaphore, #tpu.memory_space<semaphore_mem>>) src(%arg16 : memref<256xf32, #tpu.memory_space<vmem>>) dst(%dma_wait3A_236 : memref<10240xf32, #tpu.memory_space<vmem_shared>>)
        tpu.yield
      }) : () -> ()
      %add3A_212 = arith.constant 2 : i32
      %add3A_213 = arith.addi %add3A_198, %add3A_212 : i32
      %min3A_214 = arith.minsi %add3A_213, %while3A_125 : i32
      %dma_start3A_215 = arith.constant 1 : i32
      %dma_start3A_216 = arith.constant 0 : i32
      %dma_start3A_217 = arith.constant 0 : i32
      %dma_start3A_218 = tpu.memref_slice %arg12[%dma_start3A_215, %dma_start3A_216, %dma_start3A_217] : memref<2x256x64xf32, #tpu.memory_space<vmem>> -> memref<1x256x64xf32, #tpu.memory_space<vmem>>
      %dma_start3A_219 = tpu.memref_squeeze %dma_start3A_218 : memref<1x256x64xf32, #tpu.memory_space<vmem>> -> memref<256x64xf32, #tpu.memory_space<vmem>>
      %dma_start3A_220 = arith.constant 0 : i32
      %dma_start3A_221 = tpu.memref_slice %arg10[%min3A_214, %dma_start3A_220] : memref<80x256xi32, #tpu.memory_space<vmem>> -> memref<1x256xi32, #tpu.memory_space<vmem>>
      %dma_start3A_222 = tpu.memref_squeeze %dma_start3A_221 : memref<1x256xi32, #tpu.memory_space<vmem>> -> memref<256xi32, #tpu.memory_space<vmem>>
      %dma_start3A_223 = arith.constant 0 : i32
      %dma_start3A_224 = arith.constant 0 : i32
      %dma_start3A_225 = tpu.memref_slice %arg2[%dma_start3A_223, %dma_start3A_224] : memref<20480x64xf32, #tpu.memory_space<hbm>> -> memref<20480x64xf32, #tpu.memory_space<hbm>>
      tpu.enqueue_indirect_dma source(%dma_start3A_225 : memref<20480x64xf32, #tpu.memory_space<hbm>>) target(%dma_start3A_219 : memref<256x64xf32, #tpu.memory_space<vmem>>) offsets(%dma_start3A_222 : memref<256xi32, #tpu.memory_space<vmem>>) semaphore(%arg14 : memref<!tpu.dma_semaphore, #tpu.memory_space<semaphore_mem>>)
    }
    %while3A_135 = arith.constant 1 : i32
    scf.for %while3A_164 = %while3A_133 to %while3A_129 step %while3A_135  : i32 {
      %mul3A_165 = arith.constant 2 : i32
      %mul3A_166 = arith.muli %while3A_164, %mul3A_165 : i32
      %add3A_167 = arith.constant 0 : i32
      %add3A_168 = arith.addi %mul3A_166, %add3A_167 : i32
      %dma_wait3A_169 = arith.constant 0 : i32
      %dma_wait3A_170 = arith.constant 0 : i32
      %dma_wait3A_171 = arith.constant 0 : i32
      %dma_wait3A_172 = arith.constant 0 : i32
      %dma_wait3A_173 = tpu.memref_slice %arg12[%dma_wait3A_170, %dma_wait3A_171, %dma_wait3A_172] : memref<2x256x64xf32, #tpu.memory_space<vmem>> -> memref<1x256x64xf32, #tpu.memory_space<vmem>>
      %dma_wait3A_174 = tpu.memref_squeeze %dma_wait3A_173 : memref<1x256x64xf32, #tpu.memory_space<vmem>> -> memref<256x64xf32, #tpu.memory_space<vmem>>
      %dma_wait3A_175 = arith.constant 0 : i32
      %dma_wait3A_176 = tpu.memref_slice %arg10[%dma_wait3A_169, %dma_wait3A_175] : memref<80x256xi32, #tpu.memory_space<vmem>> -> memref<1x256xi32, #tpu.memory_space<vmem>>
      %dma_wait3A_177 = tpu.memref_squeeze %dma_wait3A_176 : memref<1x256xi32, #tpu.memory_space<vmem>> -> memref<256xi32, #tpu.memory_space<vmem>>
      %dma_wait3A_178 = arith.constant 0 : i32
      %dma_wait3A_179 = arith.constant 0 : i32
      %dma_wait3A_180 = tpu.memref_slice %arg2[%dma_wait3A_178, %dma_wait3A_179] : memref<20480x64xf32, #tpu.memory_space<hbm>> -> memref<20480x64xf32, #tpu.memory_space<hbm>>
      tpu.wait_indirect_dma semaphore(%arg13 : memref<!tpu.dma_semaphore, #tpu.memory_space<semaphore_mem>>) src(%dma_wait3A_180 : memref<20480x64xf32, #tpu.memory_space<hbm>>) dst(%dma_wait3A_174 : memref<256x64xf32, #tpu.memory_space<vmem>>)
      %run_scoped3A = arith.constant 0 : i32
      "tpu.region"() ({
        %run_scoped3A_226 = tpu.sem_alloc : memref<!tpu.dma_semaphore, #tpu.memory_space<semaphore_mem>>
        %dma_start3A_227 = arith.constant 0 : i32
        %dma_start3A_228 = arith.constant 0 : i32
        %dma_start3A_229 = tpu.memref_slice %arg12[%run_scoped3A, %dma_start3A_227, %dma_start3A_228] : memref<2x256x64xf32, #tpu.memory_space<vmem>> -> memref<1x256x64xf32, #tpu.memory_space<vmem>>
        %dma_start3A_230 = tpu.memref_squeeze %dma_start3A_229 : memref<1x256x64xf32, #tpu.memory_space<vmem>> -> memref<256x64xf32, #tpu.memory_space<vmem>>
        %dma_start3A_231 = arith.constant 0 : i32
        %dma_start3A_232 = tpu.memref_slice %arg11[%add3A_168, %dma_start3A_231] : memref<80x256xi32, #tpu.memory_space<vmem>> -> memref<1x256xi32, #tpu.memory_space<vmem>>
        %dma_start3A_233 = tpu.memref_squeeze %dma_start3A_232 : memref<1x256xi32, #tpu.memory_space<vmem>> -> memref<256xi32, #tpu.memory_space<vmem>>
        %dma_start3A_234 = arith.constant 0 : i32
        %dma_start3A_235 = arith.constant 0 : i32
        %dma_start3A_236 = tpu.memref_slice %arg9[%dma_start3A_234, %dma_start3A_235] : memref<10240x64xf32, #tpu.memory_space<vmem_shared>> -> memref<10240x64xf32, #tpu.memory_space<vmem_shared>>
        tpu.enqueue_indirect_dma source(%dma_start3A_230 : memref<256x64xf32, #tpu.memory_space<vmem>>) target(%dma_start3A_236 : memref<10240x64xf32, #tpu.memory_space<vmem_shared>>) offsets(%dma_start3A_233 : memref<256xi32, #tpu.memory_space<vmem>>) semaphore(%run_scoped3A_226 : memref<!tpu.dma_semaphore, #tpu.memory_space<semaphore_mem>>) {add = true}
        %dma_wait3A_237 = arith.constant 0 : i32
        %dma_wait3A_238 = arith.constant 0 : i32
        %dma_wait3A_239 = tpu.memref_slice %arg12[%run_scoped3A, %dma_wait3A_237, %dma_wait3A_238] : memref<2x256x64xf32, #tpu.memory_space<vmem>> -> memref<1x256x64xf32, #tpu.memory_space<vmem>>
        %dma_wait3A_240 = tpu.memref_squeeze %dma_wait3A_239 : memref<1x256x64xf32, #tpu.memory_space<vmem>> -> memref<256x64xf32, #tpu.memory_space<vmem>>
        %dma_wait3A_241 = arith.constant 0 : i32
        %dma_wait3A_242 = tpu.memref_slice %arg11[%add3A_168, %dma_wait3A_241] : memref<80x256xi32, #tpu.memory_space<vmem>> -> memref<1x256xi32, #tpu.memory_space<vmem>>
        %dma_wait3A_243 = tpu.memref_squeeze %dma_wait3A_242 : memref<1x256xi32, #tpu.memory_space<vmem>> -> memref<256xi32, #tpu.memory_space<vmem>>
        %dma_wait3A_244 = arith.constant 0 : i32
        %dma_wait3A_245 = arith.constant 0 : i32
        %dma_wait3A_246 = tpu.memref_slice %arg9[%dma_wait3A_244, %dma_wait3A_245] : memref<10240x64xf32, #tpu.memory_space<vmem_shared>> -> memref<10240x64xf32, #tpu.memory_space<vmem_shared>>
        tpu.wait_indirect_dma semaphore(%run_scoped3A_226 : memref<!tpu.dma_semaphore, #tpu.memory_space<semaphore_mem>>) src(%dma_wait3A_240 : memref<256x64xf32, #tpu.memory_space<vmem>>) dst(%dma_wait3A_246 : memref<10240x64xf32, #tpu.memory_space<vmem_shared>>)
        tpu.yield
      }) : () -> ()
      "tpu.region"() ({
        %run_scoped3A_226 = tpu.sem_alloc : memref<!tpu.dma_semaphore, #tpu.memory_space<semaphore_mem>>
        %dma_start3A_227 = arith.constant 0 : i32
        %dma_start3A_228 = tpu.memref_slice %arg11[%add3A_168, %dma_start3A_227] : memref<80x256xi32, #tpu.memory_space<vmem>> -> memref<1x256xi32, #tpu.memory_space<vmem>>
        %dma_start3A_229 = tpu.memref_squeeze %dma_start3A_228 : memref<1x256xi32, #tpu.memory_space<vmem>> -> memref<256xi32, #tpu.memory_space<vmem>>
        %dma_start3A_230 = arith.constant 0 : i32
        %dma_start3A_231 = tpu.memref_slice %arg15[%dma_start3A_230] : memref<10240xf32, #tpu.memory_space<vmem_shared>> -> memref<10240xf32, #tpu.memory_space<vmem_shared>>
        tpu.enqueue_indirect_dma source(%arg16 : memref<256xf32, #tpu.memory_space<vmem>>) target(%dma_start3A_231 : memref<10240xf32, #tpu.memory_space<vmem_shared>>) offsets(%dma_start3A_229 : memref<256xi32, #tpu.memory_space<vmem>>) semaphore(%run_scoped3A_226 : memref<!tpu.dma_semaphore, #tpu.memory_space<semaphore_mem>>) {add = true}
        %dma_wait3A_232 = arith.constant 0 : i32
        %dma_wait3A_233 = tpu.memref_slice %arg11[%add3A_168, %dma_wait3A_232] : memref<80x256xi32, #tpu.memory_space<vmem>> -> memref<1x256xi32, #tpu.memory_space<vmem>>
        %dma_wait3A_234 = tpu.memref_squeeze %dma_wait3A_233 : memref<1x256xi32, #tpu.memory_space<vmem>> -> memref<256xi32, #tpu.memory_space<vmem>>
        %dma_wait3A_235 = arith.constant 0 : i32
        %dma_wait3A_236 = tpu.memref_slice %arg15[%dma_wait3A_235] : memref<10240xf32, #tpu.memory_space<vmem_shared>> -> memref<10240xf32, #tpu.memory_space<vmem_shared>>
        tpu.wait_indirect_dma semaphore(%run_scoped3A_226 : memref<!tpu.dma_semaphore, #tpu.memory_space<semaphore_mem>>) src(%arg16 : memref<256xf32, #tpu.memory_space<vmem>>) dst(%dma_wait3A_236 : memref<10240xf32, #tpu.memory_space<vmem_shared>>)
        tpu.yield
      }) : () -> ()
      %add3A_181 = arith.constant 2 : i32
      %add3A_182 = arith.addi %add3A_168, %add3A_181 : i32
      %min3A_183 = arith.minsi %add3A_182, %while3A_125 : i32
      %dma_start3A_184 = arith.constant 0 : i32
      %dma_start3A_185 = arith.constant 0 : i32
      %dma_start3A_186 = arith.constant 0 : i32
      %dma_start3A_187 = tpu.memref_slice %arg12[%dma_start3A_184, %dma_start3A_185, %dma_start3A_186] : memref<2x256x64xf32, #tpu.memory_space<vmem>> -> memref<1x256x64xf32, #tpu.memory_space<vmem>>
      %dma_start3A_188 = tpu.memref_squeeze %dma_start3A_187 : memref<1x256x64xf32, #tpu.memory_space<vmem>> -> memref<256x64xf32, #tpu.memory_space<vmem>>
      %dma_start3A_189 = arith.constant 0 : i32
      %dma_start3A_190 = tpu.memref_slice %arg10[%min3A_183, %dma_start3A_189] : memref<80x256xi32, #tpu.memory_space<vmem>> -> memref<1x256xi32, #tpu.memory_space<vmem>>
      %dma_start3A_191 = tpu.memref_squeeze %dma_start3A_190 : memref<1x256xi32, #tpu.memory_space<vmem>> -> memref<256xi32, #tpu.memory_space<vmem>>
      %dma_start3A_192 = arith.constant 0 : i32
      %dma_start3A_193 = arith.constant 0 : i32
      %dma_start3A_194 = tpu.memref_slice %arg2[%dma_start3A_192, %dma_start3A_193] : memref<20480x64xf32, #tpu.memory_space<hbm>> -> memref<20480x64xf32, #tpu.memory_space<hbm>>
      tpu.enqueue_indirect_dma source(%dma_start3A_194 : memref<20480x64xf32, #tpu.memory_space<hbm>>) target(%dma_start3A_188 : memref<256x64xf32, #tpu.memory_space<vmem>>) offsets(%dma_start3A_191 : memref<256xi32, #tpu.memory_space<vmem>>) semaphore(%arg13 : memref<!tpu.dma_semaphore, #tpu.memory_space<semaphore_mem>>)
      %mul3A_195 = arith.constant 2 : i32
      %mul3A_196 = arith.muli %while3A_164, %mul3A_195 : i32
      %add3A_197 = arith.constant 1 : i32
      %add3A_198 = arith.addi %mul3A_196, %add3A_197 : i32
      %dma_wait3A_199 = arith.constant 0 : i32
      %dma_wait3A_200 = arith.constant 1 : i32
      %dma_wait3A_201 = arith.constant 0 : i32
      %dma_wait3A_202 = arith.constant 0 : i32
      %dma_wait3A_203 = tpu.memref_slice %arg12[%dma_wait3A_200, %dma_wait3A_201, %dma_wait3A_202] : memref<2x256x64xf32, #tpu.memory_space<vmem>> -> memref<1x256x64xf32, #tpu.memory_space<vmem>>
      %dma_wait3A_204 = tpu.memref_squeeze %dma_wait3A_203 : memref<1x256x64xf32, #tpu.memory_space<vmem>> -> memref<256x64xf32, #tpu.memory_space<vmem>>
      %dma_wait3A_205 = arith.constant 0 : i32
      %dma_wait3A_206 = tpu.memref_slice %arg10[%dma_wait3A_199, %dma_wait3A_205] : memref<80x256xi32, #tpu.memory_space<vmem>> -> memref<1x256xi32, #tpu.memory_space<vmem>>
      %dma_wait3A_207 = tpu.memref_squeeze %dma_wait3A_206 : memref<1x256xi32, #tpu.memory_space<vmem>> -> memref<256xi32, #tpu.memory_space<vmem>>
      %dma_wait3A_208 = arith.constant 0 : i32
      %dma_wait3A_209 = arith.constant 0 : i32
      %dma_wait3A_210 = tpu.memref_slice %arg2[%dma_wait3A_208, %dma_wait3A_209] : memref<20480x64xf32, #tpu.memory_space<hbm>> -> memref<20480x64xf32, #tpu.memory_space<hbm>>
      tpu.wait_indirect_dma semaphore(%arg14 : memref<!tpu.dma_semaphore, #tpu.memory_space<semaphore_mem>>) src(%dma_wait3A_210 : memref<20480x64xf32, #tpu.memory_space<hbm>>) dst(%dma_wait3A_204 : memref<256x64xf32, #tpu.memory_space<vmem>>)
      %run_scoped3A_211 = arith.constant 1 : i32
      "tpu.region"() ({
        %run_scoped3A_226 = tpu.sem_alloc : memref<!tpu.dma_semaphore, #tpu.memory_space<semaphore_mem>>
        %dma_start3A_227 = arith.constant 0 : i32
        %dma_start3A_228 = arith.constant 0 : i32
        %dma_start3A_229 = tpu.memref_slice %arg12[%run_scoped3A_211, %dma_start3A_227, %dma_start3A_228] : memref<2x256x64xf32, #tpu.memory_space<vmem>> -> memref<1x256x64xf32, #tpu.memory_space<vmem>>
        %dma_start3A_230 = tpu.memref_squeeze %dma_start3A_229 : memref<1x256x64xf32, #tpu.memory_space<vmem>> -> memref<256x64xf32, #tpu.memory_space<vmem>>
        %dma_start3A_231 = arith.constant 0 : i32
        %dma_start3A_232 = tpu.memref_slice %arg11[%add3A_198, %dma_start3A_231] : memref<80x256xi32, #tpu.memory_space<vmem>> -> memref<1x256xi32, #tpu.memory_space<vmem>>
        %dma_start3A_233 = tpu.memref_squeeze %dma_start3A_232 : memref<1x256xi32, #tpu.memory_space<vmem>> -> memref<256xi32, #tpu.memory_space<vmem>>
        %dma_start3A_234 = arith.constant 0 : i32
        %dma_start3A_235 = arith.constant 0 : i32
        %dma_start3A_236 = tpu.memref_slice %arg9[%dma_start3A_234, %dma_start3A_235] : memref<10240x64xf32, #tpu.memory_space<vmem_shared>> -> memref<10240x64xf32, #tpu.memory_space<vmem_shared>>
        tpu.enqueue_indirect_dma source(%dma_start3A_230 : memref<256x64xf32, #tpu.memory_space<vmem>>) target(%dma_start3A_236 : memref<10240x64xf32, #tpu.memory_space<vmem_shared>>) offsets(%dma_start3A_233 : memref<256xi32, #tpu.memory_space<vmem>>) semaphore(%run_scoped3A_226 : memref<!tpu.dma_semaphore, #tpu.memory_space<semaphore_mem>>) {add = true}
        %dma_wait3A_237 = arith.constant 0 : i32
        %dma_wait3A_238 = arith.constant 0 : i32
        %dma_wait3A_239 = tpu.memref_slice %arg12[%run_scoped3A_211, %dma_wait3A_237, %dma_wait3A_238] : memref<2x256x64xf32, #tpu.memory_space<vmem>> -> memref<1x256x64xf32, #tpu.memory_space<vmem>>
        %dma_wait3A_240 = tpu.memref_squeeze %dma_wait3A_239 : memref<1x256x64xf32, #tpu.memory_space<vmem>> -> memref<256x64xf32, #tpu.memory_space<vmem>>
        %dma_wait3A_241 = arith.constant 0 : i32
        %dma_wait3A_242 = tpu.memref_slice %arg11[%add3A_198, %dma_wait3A_241] : memref<80x256xi32, #tpu.memory_space<vmem>> -> memref<1x256xi32, #tpu.memory_space<vmem>>
        %dma_wait3A_243 = tpu.memref_squeeze %dma_wait3A_242 : memref<1x256xi32, #tpu.memory_space<vmem>> -> memref<256xi32, #tpu.memory_space<vmem>>
        %dma_wait3A_244 = arith.constant 0 : i32
        %dma_wait3A_245 = arith.constant 0 : i32
        %dma_wait3A_246 = tpu.memref_slice %arg9[%dma_wait3A_244, %dma_wait3A_245] : memref<10240x64xf32, #tpu.memory_space<vmem_shared>> -> memref<10240x64xf32, #tpu.memory_space<vmem_shared>>
        tpu.wait_indirect_dma semaphore(%run_scoped3A_226 : memref<!tpu.dma_semaphore, #tpu.memory_space<semaphore_mem>>) src(%dma_wait3A_240 : memref<256x64xf32, #tpu.memory_space<vmem>>) dst(%dma_wait3A_246 : memref<10240x64xf32, #tpu.memory_space<vmem_shared>>)
        tpu.yield
      }) : () -> ()
      "tpu.region"() ({
        %run_scoped3A_226 = tpu.sem_alloc : memref<!tpu.dma_semaphore, #tpu.memory_space<semaphore_mem>>
        %dma_start3A_227 = arith.constant 0 : i32
        %dma_start3A_228 = tpu.memref_slice %arg11[%add3A_198, %dma_start3A_227] : memref<80x256xi32, #tpu.memory_space<vmem>> -> memref<1x256xi32, #tpu.memory_space<vmem>>
        %dma_start3A_229 = tpu.memref_squeeze %dma_start3A_228 : memref<1x256xi32, #tpu.memory_space<vmem>> -> memref<256xi32, #tpu.memory_space<vmem>>
        %dma_start3A_230 = arith.constant 0 : i32
        %dma_start3A_231 = tpu.memref_slice %arg15[%dma_start3A_230] : memref<10240xf32, #tpu.memory_space<vmem_shared>> -> memref<10240xf32, #tpu.memory_space<vmem_shared>>
        tpu.enqueue_indirect_dma source(%arg16 : memref<256xf32, #tpu.memory_space<vmem>>) target(%dma_start3A_231 : memref<10240xf32, #tpu.memory_space<vmem_shared>>) offsets(%dma_start3A_229 : memref<256xi32, #tpu.memory_space<vmem>>) semaphore(%run_scoped3A_226 : memref<!tpu.dma_semaphore, #tpu.memory_space<semaphore_mem>>) {add = true}
        %dma_wait3A_232 = arith.constant 0 : i32
        %dma_wait3A_233 = tpu.memref_slice %arg11[%add3A_198, %dma_wait3A_232] : memref<80x256xi32, #tpu.memory_space<vmem>> -> memref<1x256xi32, #tpu.memory_space<vmem>>
        %dma_wait3A_234 = tpu.memref_squeeze %dma_wait3A_233 : memref<1x256xi32, #tpu.memory_space<vmem>> -> memref<256xi32, #tpu.memory_space<vmem>>
        %dma_wait3A_235 = arith.constant 0 : i32
        %dma_wait3A_236 = tpu.memref_slice %arg15[%dma_wait3A_235] : memref<10240xf32, #tpu.memory_space<vmem_shared>> -> memref<10240xf32, #tpu.memory_space<vmem_shared>>
        tpu.wait_indirect_dma semaphore(%run_scoped3A_226 : memref<!tpu.dma_semaphore, #tpu.memory_space<semaphore_mem>>) src(%arg16 : memref<256xf32, #tpu.memory_space<vmem>>) dst(%dma_wait3A_236 : memref<10240xf32, #tpu.memory_space<vmem_shared>>)
        tpu.yield
      }) : () -> ()
      %add3A_212 = arith.constant 2 : i32
      %add3A_213 = arith.addi %add3A_198, %add3A_212 : i32
      %min3A_214 = arith.minsi %add3A_213, %while3A_125 : i32
      %dma_start3A_215 = arith.constant 1 : i32
      %dma_start3A_216 = arith.constant 0 : i32
      %dma_start3A_217 = arith.constant 0 : i32
      %dma_start3A_218 = tpu.memref_slice %arg12[%dma_start3A_215, %dma_start3A_216, %dma_start3A_217] : memref<2x256x64xf32, #tpu.memory_space<vmem>> -> memref<1x256x64xf32, #tpu.memory_space<vmem>>
      %dma_start3A_219 = tpu.memref_squeeze %dma_start3A_218 : memref<1x256x64xf32, #tpu.memory_space<vmem>> -> memref<256x64xf32, #tpu.memory_space<vmem>>
      %dma_start3A_220 = arith.constant 0 : i32
      %dma_start3A_221 = tpu.memref_slice %arg10[%min3A_214, %dma_start3A_220] : memref<80x256xi32, #tpu.memory_space<vmem>> -> memref<1x256xi32, #tpu.memory_space<vmem>>
      %dma_start3A_222 = tpu.memref_squeeze %dma_start3A_221 : memref<1x256xi32, #tpu.memory_space<vmem>> -> memref<256xi32, #tpu.memory_space<vmem>>
      %dma_start3A_223 = arith.constant 0 : i32
      %dma_start3A_224 = arith.constant 0 : i32
      %dma_start3A_225 = tpu.memref_slice %arg2[%dma_start3A_223, %dma_start3A_224] : memref<20480x64xf32, #tpu.memory_space<hbm>> -> memref<20480x64xf32, #tpu.memory_space<hbm>>
      tpu.enqueue_indirect_dma source(%dma_start3A_225 : memref<20480x64xf32, #tpu.memory_space<hbm>>) target(%dma_start3A_219 : memref<256x64xf32, #tpu.memory_space<vmem>>) offsets(%dma_start3A_222 : memref<256xi32, #tpu.memory_space<vmem>>) semaphore(%arg14 : memref<!tpu.dma_semaphore, #tpu.memory_space<semaphore_mem>>)
    }
    %dma_wait3A = arith.constant 0 : i32
    %dma_wait3A_136 = arith.constant 0 : i32
    %dma_wait3A_137 = arith.constant 0 : i32
    %dma_wait3A_138 = arith.constant 0 : i32
    %dma_wait3A_139 = tpu.memref_slice %arg12[%dma_wait3A_136, %dma_wait3A_137, %dma_wait3A_138] : memref<2x256x64xf32, #tpu.memory_space<vmem>> -> memref<1x256x64xf32, #tpu.memory_space<vmem>>
    %dma_wait3A_140 = tpu.memref_squeeze %dma_wait3A_139 : memref<1x256x64xf32, #tpu.memory_space<vmem>> -> memref<256x64xf32, #tpu.memory_space<vmem>>
    %dma_wait3A_141 = arith.constant 0 : i32
    %dma_wait3A_142 = tpu.memref_slice %arg10[%dma_wait3A, %dma_wait3A_141] : memref<80x256xi32, #tpu.memory_space<vmem>> -> memref<1x256xi32, #tpu.memory_space<vmem>>
    %dma_wait3A_143 = tpu.memref_squeeze %dma_wait3A_142 : memref<1x256xi32, #tpu.memory_space<vmem>> -> memref<256xi32, #tpu.memory_space<vmem>>
    %dma_wait3A_144 = arith.constant 0 : i32
    %dma_wait3A_145 = arith.constant 0 : i32
    %dma_wait3A_146 = tpu.memref_slice %arg2[%dma_wait3A_144, %dma_wait3A_145] : memref<20480x64xf32, #tpu.memory_space<hbm>> -> memref<20480x64xf32, #tpu.memory_space<hbm>>
    tpu.wait_indirect_dma semaphore(%arg13 : memref<!tpu.dma_semaphore, #tpu.memory_space<semaphore_mem>>) src(%dma_wait3A_146 : memref<20480x64xf32, #tpu.memory_space<hbm>>) dst(%dma_wait3A_140 : memref<256x64xf32, #tpu.memory_space<vmem>>)
    %dma_wait3A_147 = arith.constant 0 : i32
    %dma_wait3A_148 = arith.constant 1 : i32
    %dma_wait3A_149 = arith.constant 0 : i32
    %dma_wait3A_150 = arith.constant 0 : i32
    %dma_wait3A_151 = tpu.memref_slice %arg12[%dma_wait3A_148, %dma_wait3A_149, %dma_wait3A_150] : memref<2x256x64xf32, #tpu.memory_space<vmem>> -> memref<1x256x64xf32, #tpu.memory_space<vmem>>
    %dma_wait3A_152 = tpu.memref_squeeze %dma_wait3A_151 : memref<1x256x64xf32, #tpu.memory_space<vmem>> -> memref<256x64xf32, #tpu.memory_space<vmem>>
    %dma_wait3A_153 = arith.constant 0 : i32
    %dma_wait3A_154 = tpu.memref_slice %arg10[%dma_wait3A_147, %dma_wait3A_153] : memref<80x256xi32, #tpu.memory_space<vmem>> -> memref<1x256xi32, #tpu.memory_space<vmem>>
    %dma_wait3A_155 = tpu.memref_squeeze %dma_wait3A_154 : memref<1x256xi32, #tpu.memory_space<vmem>> -> memref<256xi32, #tpu.memory_space<vmem>>
    %dma_wait3A_156 = arith.constant 0 : i32
    %dma_wait3A_157 = arith.constant 0 : i32
    %dma_wait3A_158 = tpu.memref_slice %arg2[%dma_wait3A_156, %dma_wait3A_157] : memref<20480x64xf32, #tpu.memory_space<hbm>> -> memref<20480x64xf32, #tpu.memory_space<hbm>>
    tpu.wait_indirect_dma semaphore(%arg14 : memref<!tpu.dma_semaphore, #tpu.memory_space<semaphore_mem>>) src(%dma_wait3A_158 : memref<20480x64xf32, #tpu.memory_space<hbm>>) dst(%dma_wait3A_152 : memref<256x64xf32, #tpu.memory_space<vmem>>)
    %barrier3A_159 = arith.constant 0 : index
    tpu.barrier barrier_id(%barrier3A_159)
    %mul3A_160 = arith.constant 10240 : i32
    %mul3A_161 = arith.muli %arg0, %mul3A_160 : i32
    %add3A_162 = arith.addi %mul3A_161, %mul3A_0 : i32
    %multiple_of3A_163 = tpu.assume_multiple %add3A_162, 640 : i32
    "tpu.region"() ({
      %run_scoped3A = tpu.sem_alloc : memref<!tpu.dma_semaphore, #tpu.memory_space<semaphore_mem>>
      %dma_start3A_164 = arith.constant 0 : i32
      %dma_start3A_165 = tpu.memref_slice %arg7[%multiple_of3A_163, %dma_start3A_164] : memref<20480x64xf32, #tpu.memory_space<hbm>> -> memref<640x64xf32, #tpu.memory_space<hbm>>
      %dma_start3A_166 = arith.constant 0 : i32
      %dma_start3A_167 = tpu.memref_slice %arg9[%mul3A_0, %dma_start3A_166] : memref<10240x64xf32, #tpu.memory_space<vmem_shared>> -> memref<640x64xf32, #tpu.memory_space<vmem_shared>>
      tpu.enqueue_dma source(%dma_start3A_167 : memref<640x64xf32, #tpu.memory_space<vmem_shared>>) target(%dma_start3A_165 : memref<640x64xf32, #tpu.memory_space<hbm>>) target_semaphore(%run_scoped3A : memref<!tpu.dma_semaphore, #tpu.memory_space<semaphore_mem>>)
      %dma_wait3A_168 = arith.constant 0 : i32
      %dma_wait3A_169 = tpu.memref_slice %arg7[%multiple_of3A_163, %dma_wait3A_168] : memref<20480x64xf32, #tpu.memory_space<hbm>> -> memref<640x64xf32, #tpu.memory_space<hbm>>
      %dma_wait3A_170 = arith.constant 0 : i32
      %dma_wait3A_171 = tpu.memref_slice %arg9[%mul3A_0, %dma_wait3A_170] : memref<10240x64xf32, #tpu.memory_space<vmem_shared>> -> memref<640x64xf32, #tpu.memory_space<vmem_shared>>
      tpu.wait_dma2 semaphore(%run_scoped3A : memref<!tpu.dma_semaphore, #tpu.memory_space<semaphore_mem>>) src(%dma_wait3A_171 : memref<640x64xf32, #tpu.memory_space<vmem_shared>>) dst(%dma_wait3A_169 : memref<640x64xf32, #tpu.memory_space<hbm>>)
      tpu.yield
    }) : () -> ()
    "tpu.region"() ({
      %run_scoped3A = tpu.sem_alloc : memref<!tpu.dma_semaphore, #tpu.memory_space<semaphore_mem>>
      %dma_start3A_164 = tpu.memref_slice %arg8[%multiple_of3A_163] : memref<20480xf32, #tpu.memory_space<hbm>> -> memref<640xf32, #tpu.memory_space<hbm>>
      %dma_start3A_165 = tpu.memref_slice %arg15[%mul3A_0] : memref<10240xf32, #tpu.memory_space<vmem_shared>> -> memref<640xf32, #tpu.memory_space<vmem_shared>>
      tpu.enqueue_dma source(%dma_start3A_165 : memref<640xf32, #tpu.memory_space<vmem_shared>>) target(%dma_start3A_164 : memref<640xf32, #tpu.memory_space<hbm>>) target_semaphore(%run_scoped3A : memref<!tpu.dma_semaphore, #tpu.memory_space<semaphore_mem>>)
      %dma_wait3A_166 = tpu.memref_slice %arg8[%multiple_of3A_163] : memref<20480xf32, #tpu.memory_space<hbm>> -> memref<640xf32, #tpu.memory_space<hbm>>
      %dma_wait3A_167 = tpu.memref_slice %arg15[%mul3A_0] : memref<10240xf32, #tpu.memory_space<vmem_shared>> -> memref<640xf32, #tpu.memory_space<vmem_shared>>
      tpu.wait_dma2 semaphore(%run_scoped3A : memref<!tpu.dma_semaphore, #tpu.memory_space<semaphore_mem>>) src(%dma_wait3A_167 : memref<640xf32, #tpu.memory_space<vmem_shared>>) dst(%dma_wait3A_166 : memref<640xf32, #tpu.memory_space<hbm>>)
      tpu.yield
    }) : () -> ()
    return
  }
}

#map = affine_map<(d0, d1) -> (0, 0)>
#map1 = affine_map<(d0, d1) -> (0)>
module attributes {stable_mosaic.version = 14 : i64} {
  func.func @k(%arg0: i32, %arg1: i32, %arg2: memref<20480x64xf32, #tpu.memory_space<hbm>>, %arg3: memref<2560x256xi32, #tpu.memory_space<hbm>>, %arg4: memref<2560x256xi32, #tpu.memory_space<hbm>>, %arg5: memref<640x64xf32, #tpu.memory_space<hbm>>, %arg6: memref<640xf32, #tpu.memory_space<hbm>>, %arg7: memref<20480x64xf32, #tpu.memory_space<hbm>>, %arg8: memref<10240x64xf32, #tpu.memory_space<vmem_shared>>, %arg9: memref<80x256xi32, #tpu.memory_space<vmem>>, %arg10: memref<80x256xi32, #tpu.memory_space<vmem>>, %arg11: memref<2x256x64xf32, #tpu.memory_space<vmem>>, %arg12: memref<!tpu.dma_semaphore, #tpu.memory_space<semaphore_mem>>, %arg13: memref<!tpu.dma_semaphore, #tpu.memory_space<semaphore_mem>>) attributes {dimension_semantics = [#tpu.dimension_semantics<core_parallel>, #tpu.dimension_semantics<subcore_parallel>], iteration_bounds = array<i64: 2, 16>, scalar_prefetch = 0 : i64, scratch_operands = 6 : i64, tpu.core_type = #tpu.core_type<sc_vector_subcore>, window_params = [{transform_indices = #map}, {transform_indices = #map}, {transform_indices = #map}, {transform_indices = #map}, {transform_indices = #map1}, {transform_indices = #map}]} {
    %mul3A = arith.constant 640 : i32
    %mul3A_0 = arith.muli %arg1, %mul3A : i32
    "tpu.region"() ({
      %run_scoped3A = tpu.sem_alloc : memref<!tpu.dma_semaphore, #tpu.memory_space<semaphore_mem>>
      %dma_start3A_70 = arith.constant 0 : i32
      %dma_start3A_71 = tpu.memref_slice %arg8[%mul3A_0, %dma_start3A_70] : memref<10240x64xf32, #tpu.memory_space<vmem_shared>> -> memref<640x64xf32, #tpu.memory_space<vmem_shared>>
      tpu.enqueue_dma source(%arg5 : memref<640x64xf32, #tpu.memory_space<hbm>>) target(%dma_start3A_71 : memref<640x64xf32, #tpu.memory_space<vmem_shared>>) target_semaphore(%run_scoped3A : memref<!tpu.dma_semaphore, #tpu.memory_space<semaphore_mem>>)
      %dma_wait3A_72 = arith.constant 0 : i32
      %dma_wait3A_73 = tpu.memref_slice %arg8[%mul3A_0, %dma_wait3A_72] : memref<10240x64xf32, #tpu.memory_space<vmem_shared>> -> memref<640x64xf32, #tpu.memory_space<vmem_shared>>
      tpu.wait_dma2 semaphore(%run_scoped3A : memref<!tpu.dma_semaphore, #tpu.memory_space<semaphore_mem>>) src(%arg5 : memref<640x64xf32, #tpu.memory_space<hbm>>) dst(%dma_wait3A_73 : memref<640x64xf32, #tpu.memory_space<vmem_shared>>)
      tpu.yield
    }) : () -> ()
    %mul3A_1 = arith.constant 1280 : i32
    %mul3A_2 = arith.muli %arg0, %mul3A_1 : i32
    %mul3A_3 = arith.constant 80 : i32
    %mul3A_4 = arith.muli %arg1, %mul3A_3 : i32
    %add3A = arith.addi %mul3A_2, %mul3A_4 : i32
    %multiple_of3A = tpu.assume_multiple %add3A, 80 : i32
    "tpu.region"() ({
      %run_scoped3A = tpu.sem_alloc : memref<!tpu.dma_semaphore, #tpu.memory_space<semaphore_mem>>
      %dma_start3A_70 = arith.constant 0 : i32
      %dma_start3A_71 = tpu.memref_slice %arg3[%multiple_of3A, %dma_start3A_70] : memref<2560x256xi32, #tpu.memory_space<hbm>> -> memref<80x256xi32, #tpu.memory_space<hbm>>
      %dma_start3A_72 = arith.constant 0 : i32
      %dma_start3A_73 = tpu.memref_slice %arg3[%multiple_of3A, %dma_start3A_72] : memref<2560x256xi32, #tpu.memory_space<hbm>> -> memref<80x256xi32, #tpu.memory_space<hbm>>
      tpu.enqueue_dma source(%dma_start3A_73 : memref<80x256xi32, #tpu.memory_space<hbm>>) target(%arg9 : memref<80x256xi32, #tpu.memory_space<vmem>>) target_semaphore(%run_scoped3A : memref<!tpu.dma_semaphore, #tpu.memory_space<semaphore_mem>>)
      %dma_wait3A_74 = arith.constant 0 : i32
      %dma_wait3A_75 = tpu.memref_slice %arg3[%multiple_of3A, %dma_wait3A_74] : memref<2560x256xi32, #tpu.memory_space<hbm>> -> memref<80x256xi32, #tpu.memory_space<hbm>>
      %dma_wait3A_76 = arith.constant 0 : i32
      %dma_wait3A_77 = tpu.memref_slice %arg3[%multiple_of3A, %dma_wait3A_76] : memref<2560x256xi32, #tpu.memory_space<hbm>> -> memref<80x256xi32, #tpu.memory_space<hbm>>
      tpu.wait_dma2 semaphore(%run_scoped3A : memref<!tpu.dma_semaphore, #tpu.memory_space<semaphore_mem>>) src(%dma_wait3A_77 : memref<80x256xi32, #tpu.memory_space<hbm>>) dst(%arg9 : memref<80x256xi32, #tpu.memory_space<vmem>>)
      tpu.yield
    }) : () -> ()
    "tpu.region"() ({
      %run_scoped3A = tpu.sem_alloc : memref<!tpu.dma_semaphore, #tpu.memory_space<semaphore_mem>>
      %dma_start3A_70 = arith.constant 0 : i32
      %dma_start3A_71 = tpu.memref_slice %arg4[%multiple_of3A, %dma_start3A_70] : memref<2560x256xi32, #tpu.memory_space<hbm>> -> memref<80x256xi32, #tpu.memory_space<hbm>>
      %dma_start3A_72 = arith.constant 0 : i32
      %dma_start3A_73 = tpu.memref_slice %arg4[%multiple_of3A, %dma_start3A_72] : memref<2560x256xi32, #tpu.memory_space<hbm>> -> memref<80x256xi32, #tpu.memory_space<hbm>>
      tpu.enqueue_dma source(%dma_start3A_73 : memref<80x256xi32, #tpu.memory_space<hbm>>) target(%arg10 : memref<80x256xi32, #tpu.memory_space<vmem>>) target_semaphore(%run_scoped3A : memref<!tpu.dma_semaphore, #tpu.memory_space<semaphore_mem>>)
      %dma_wait3A_74 = arith.constant 0 : i32
      %dma_wait3A_75 = tpu.memref_slice %arg4[%multiple_of3A, %dma_wait3A_74] : memref<2560x256xi32, #tpu.memory_space<hbm>> -> memref<80x256xi32, #tpu.memory_space<hbm>>
      %dma_wait3A_76 = arith.constant 0 : i32
      %dma_wait3A_77 = tpu.memref_slice %arg4[%multiple_of3A, %dma_wait3A_76] : memref<2560x256xi32, #tpu.memory_space<hbm>> -> memref<80x256xi32, #tpu.memory_space<hbm>>
      tpu.wait_dma2 semaphore(%run_scoped3A : memref<!tpu.dma_semaphore, #tpu.memory_space<semaphore_mem>>) src(%dma_wait3A_77 : memref<80x256xi32, #tpu.memory_space<hbm>>) dst(%arg10 : memref<80x256xi32, #tpu.memory_space<vmem>>)
      tpu.yield
    }) : () -> ()
    %barrier3A = arith.constant 0 : index
    tpu.barrier barrier_id(%barrier3A)
    %min3A = arith.constant 0 : i32
    %min3A_5 = arith.constant 79 : i32
    %min3A_6 = arith.minsi %min3A, %min3A_5 : i32
    %dma_start3A = arith.constant 0 : i32
    %dma_start3A_7 = arith.constant 0 : i32
    %dma_start3A_8 = arith.constant 0 : i32
    %dma_start3A_9 = tpu.memref_slice %arg11[%dma_start3A, %dma_start3A_7, %dma_start3A_8] : memref<2x256x64xf32, #tpu.memory_space<vmem>> -> memref<1x256x64xf32, #tpu.memory_space<vmem>>
    %dma_start3A_10 = tpu.memref_squeeze %dma_start3A_9 : memref<1x256x64xf32, #tpu.memory_space<vmem>> -> memref<256x64xf32, #tpu.memory_space<vmem>>
    %dma_start3A_11 = arith.constant 0 : i32
    %dma_start3A_12 = tpu.memref_slice %arg9[%min3A_6, %dma_start3A_11] : memref<80x256xi32, #tpu.memory_space<vmem>> -> memref<1x256xi32, #tpu.memory_space<vmem>>
    %dma_start3A_13 = tpu.memref_squeeze %dma_start3A_12 : memref<1x256xi32, #tpu.memory_space<vmem>> -> memref<256xi32, #tpu.memory_space<vmem>>
    %dma_start3A_14 = arith.constant 0 : i32
    %dma_start3A_15 = arith.constant 0 : i32
    %dma_start3A_16 = tpu.memref_slice %arg2[%dma_start3A_14, %dma_start3A_15] : memref<20480x64xf32, #tpu.memory_space<hbm>> -> memref<20480x64xf32, #tpu.memory_space<hbm>>
    tpu.enqueue_indirect_dma source(%dma_start3A_16 : memref<20480x64xf32, #tpu.memory_space<hbm>>) target(%dma_start3A_10 : memref<256x64xf32, #tpu.memory_space<vmem>>) offsets(%dma_start3A_13 : memref<256xi32, #tpu.memory_space<vmem>>) semaphore(%arg12 : memref<!tpu.dma_semaphore, #tpu.memory_space<semaphore_mem>>)
    %min3A_17 = arith.constant 1 : i32
    %min3A_18 = arith.constant 79 : i32
    %min3A_19 = arith.minsi %min3A_17, %min3A_18 : i32
    %dma_start3A_20 = arith.constant 1 : i32
    %dma_start3A_21 = arith.constant 0 : i32
    %dma_start3A_22 = arith.constant 0 : i32
    %dma_start3A_23 = tpu.memref_slice %arg11[%dma_start3A_20, %dma_start3A_21, %dma_start3A_22] : memref<2x256x64xf32, #tpu.memory_space<vmem>> -> memref<1x256x64xf32, #tpu.memory_space<vmem>>
    %dma_start3A_24 = tpu.memref_squeeze %dma_start3A_23 : memref<1x256x64xf32, #tpu.memory_space<vmem>> -> memref<256x64xf32, #tpu.memory_space<vmem>>
    %dma_start3A_25 = arith.constant 0 : i32
    %dma_start3A_26 = tpu.memref_slice %arg9[%min3A_19, %dma_start3A_25] : memref<80x256xi32, #tpu.memory_space<vmem>> -> memref<1x256xi32, #tpu.memory_space<vmem>>
    %dma_start3A_27 = tpu.memref_squeeze %dma_start3A_26 : memref<1x256xi32, #tpu.memory_space<vmem>> -> memref<256xi32, #tpu.memory_space<vmem>>
    %dma_start3A_28 = arith.constant 0 : i32
    %dma_start3A_29 = arith.constant 0 : i32
    %dma_start3A_30 = tpu.memref_slice %arg2[%dma_start3A_28, %dma_start3A_29] : memref<20480x64xf32, #tpu.memory_space<hbm>> -> memref<20480x64xf32, #tpu.memory_space<hbm>>
    tpu.enqueue_indirect_dma source(%dma_start3A_30 : memref<20480x64xf32, #tpu.memory_space<hbm>>) target(%dma_start3A_24 : memref<256x64xf32, #tpu.memory_space<vmem>>) offsets(%dma_start3A_27 : memref<256xi32, #tpu.memory_space<vmem>>) semaphore(%arg13 : memref<!tpu.dma_semaphore, #tpu.memory_space<semaphore_mem>>)
    %while3A = arith.constant 0 : i32
    %while3A_31 = arith.constant 79 : i32
    %while3A_32 = arith.constant 0 : i32
    %while3A_33 = arith.constant 40 : i32
    %while3A_34 = arith.subi %while3A_33, %while3A_32 : i32
    %while3A_35 = arith.addi %while3A_32, %while3A_34 : i32
    %while3A_36 = arith.constant 1 : i32
    %while3A_37 = arith.divsi %while3A_34, %while3A_36 : i32
    %while3A_38 = arith.muli %while3A_37, %while3A_36 : i32
    %while3A_39 = arith.addi %while3A_32, %while3A_38 : i32
    %while3A_40 = arith.constant 1 : i32
    scf.for %while3A_70 = %while3A_32 to %while3A_39 step %while3A_40  : i32 {
      %mul3A_71 = arith.constant 2 : i32
      %mul3A_72 = arith.muli %while3A_70, %mul3A_71 : i32
      %add3A_73 = arith.constant 0 : i32
      %add3A_74 = arith.addi %mul3A_72, %add3A_73 : i32
      %dma_wait3A_75 = arith.constant 0 : i32
      %dma_wait3A_76 = arith.constant 0 : i32
      %dma_wait3A_77 = arith.constant 0 : i32
      %dma_wait3A_78 = arith.constant 0 : i32
      %dma_wait3A_79 = tpu.memref_slice %arg11[%dma_wait3A_76, %dma_wait3A_77, %dma_wait3A_78] : memref<2x256x64xf32, #tpu.memory_space<vmem>> -> memref<1x256x64xf32, #tpu.memory_space<vmem>>
      %dma_wait3A_80 = tpu.memref_squeeze %dma_wait3A_79 : memref<1x256x64xf32, #tpu.memory_space<vmem>> -> memref<256x64xf32, #tpu.memory_space<vmem>>
      %dma_wait3A_81 = arith.constant 0 : i32
      %dma_wait3A_82 = tpu.memref_slice %arg9[%dma_wait3A_75, %dma_wait3A_81] : memref<80x256xi32, #tpu.memory_space<vmem>> -> memref<1x256xi32, #tpu.memory_space<vmem>>
      %dma_wait3A_83 = tpu.memref_squeeze %dma_wait3A_82 : memref<1x256xi32, #tpu.memory_space<vmem>> -> memref<256xi32, #tpu.memory_space<vmem>>
      %dma_wait3A_84 = arith.constant 0 : i32
      %dma_wait3A_85 = arith.constant 0 : i32
      %dma_wait3A_86 = tpu.memref_slice %arg2[%dma_wait3A_84, %dma_wait3A_85] : memref<20480x64xf32, #tpu.memory_space<hbm>> -> memref<20480x64xf32, #tpu.memory_space<hbm>>
      tpu.wait_indirect_dma semaphore(%arg12 : memref<!tpu.dma_semaphore, #tpu.memory_space<semaphore_mem>>) src(%dma_wait3A_86 : memref<20480x64xf32, #tpu.memory_space<hbm>>) dst(%dma_wait3A_80 : memref<256x64xf32, #tpu.memory_space<vmem>>)
      %run_scoped3A = arith.constant 0 : i32
      "tpu.region"() ({
        %run_scoped3A_132 = tpu.sem_alloc : memref<!tpu.dma_semaphore, #tpu.memory_space<semaphore_mem>>
        %dma_start3A_133 = arith.constant 0 : i32
        %dma_start3A_134 = arith.constant 0 : i32
        %dma_start3A_135 = tpu.memref_slice %arg11[%run_scoped3A, %dma_start3A_133, %dma_start3A_134] : memref<2x256x64xf32, #tpu.memory_space<vmem>> -> memref<1x256x64xf32, #tpu.memory_space<vmem>>
        %dma_start3A_136 = tpu.memref_squeeze %dma_start3A_135 : memref<1x256x64xf32, #tpu.memory_space<vmem>> -> memref<256x64xf32, #tpu.memory_space<vmem>>
        %dma_start3A_137 = arith.constant 0 : i32
        %dma_start3A_138 = tpu.memref_slice %arg10[%add3A_74, %dma_start3A_137] : memref<80x256xi32, #tpu.memory_space<vmem>> -> memref<1x256xi32, #tpu.memory_space<vmem>>
        %dma_start3A_139 = tpu.memref_squeeze %dma_start3A_138 : memref<1x256xi32, #tpu.memory_space<vmem>> -> memref<256xi32, #tpu.memory_space<vmem>>
        %dma_start3A_140 = arith.constant 0 : i32
        %dma_start3A_141 = arith.constant 0 : i32
        %dma_start3A_142 = tpu.memref_slice %arg8[%dma_start3A_140, %dma_start3A_141] : memref<10240x64xf32, #tpu.memory_space<vmem_shared>> -> memref<10240x64xf32, #tpu.memory_space<vmem_shared>>
        tpu.enqueue_indirect_dma source(%dma_start3A_136 : memref<256x64xf32, #tpu.memory_space<vmem>>) target(%dma_start3A_142 : memref<10240x64xf32, #tpu.memory_space<vmem_shared>>) offsets(%dma_start3A_139 : memref<256xi32, #tpu.memory_space<vmem>>) semaphore(%run_scoped3A_132 : memref<!tpu.dma_semaphore, #tpu.memory_space<semaphore_mem>>) {add = true}
        %dma_wait3A_143 = arith.constant 0 : i32
        %dma_wait3A_144 = arith.constant 0 : i32
        %dma_wait3A_145 = tpu.memref_slice %arg11[%run_scoped3A, %dma_wait3A_143, %dma_wait3A_144] : memref<2x256x64xf32, #tpu.memory_space<vmem>> -> memref<1x256x64xf32, #tpu.memory_space<vmem>>
        %dma_wait3A_146 = tpu.memref_squeeze %dma_wait3A_145 : memref<1x256x64xf32, #tpu.memory_space<vmem>> -> memref<256x64xf32, #tpu.memory_space<vmem>>
        %dma_wait3A_147 = arith.constant 0 : i32
        %dma_wait3A_148 = tpu.memref_slice %arg10[%add3A_74, %dma_wait3A_147] : memref<80x256xi32, #tpu.memory_space<vmem>> -> memref<1x256xi32, #tpu.memory_space<vmem>>
        %dma_wait3A_149 = tpu.memref_squeeze %dma_wait3A_148 : memref<1x256xi32, #tpu.memory_space<vmem>> -> memref<256xi32, #tpu.memory_space<vmem>>
        %dma_wait3A_150 = arith.constant 0 : i32
        %dma_wait3A_151 = arith.constant 0 : i32
        %dma_wait3A_152 = tpu.memref_slice %arg8[%dma_wait3A_150, %dma_wait3A_151] : memref<10240x64xf32, #tpu.memory_space<vmem_shared>> -> memref<10240x64xf32, #tpu.memory_space<vmem_shared>>
        tpu.wait_indirect_dma semaphore(%run_scoped3A_132 : memref<!tpu.dma_semaphore, #tpu.memory_space<semaphore_mem>>) src(%dma_wait3A_146 : memref<256x64xf32, #tpu.memory_space<vmem>>) dst(%dma_wait3A_152 : memref<10240x64xf32, #tpu.memory_space<vmem_shared>>)
        tpu.yield
      }) : () -> ()
      %add3A_87 = arith.constant 2 : i32
      %add3A_88 = arith.addi %add3A_74, %add3A_87 : i32
      %min3A_89 = arith.minsi %add3A_88, %while3A_31 : i32
      %dma_start3A_90 = arith.constant 0 : i32
      %dma_start3A_91 = arith.constant 0 : i32
      %dma_start3A_92 = arith.constant 0 : i32
      %dma_start3A_93 = tpu.memref_slice %arg11[%dma_start3A_90, %dma_start3A_91, %dma_start3A_92] : memref<2x256x64xf32, #tpu.memory_space<vmem>> -> memref<1x256x64xf32, #tpu.memory_space<vmem>>
      %dma_start3A_94 = tpu.memref_squeeze %dma_start3A_93 : memref<1x256x64xf32, #tpu.memory_space<vmem>> -> memref<256x64xf32, #tpu.memory_space<vmem>>
      %dma_start3A_95 = arith.constant 0 : i32
      %dma_start3A_96 = tpu.memref_slice %arg9[%min3A_89, %dma_start3A_95] : memref<80x256xi32, #tpu.memory_space<vmem>> -> memref<1x256xi32, #tpu.memory_space<vmem>>
      %dma_start3A_97 = tpu.memref_squeeze %dma_start3A_96 : memref<1x256xi32, #tpu.memory_space<vmem>> -> memref<256xi32, #tpu.memory_space<vmem>>
      %dma_start3A_98 = arith.constant 0 : i32
      %dma_start3A_99 = arith.constant 0 : i32
      %dma_start3A_100 = tpu.memref_slice %arg2[%dma_start3A_98, %dma_start3A_99] : memref<20480x64xf32, #tpu.memory_space<hbm>> -> memref<20480x64xf32, #tpu.memory_space<hbm>>
      tpu.enqueue_indirect_dma source(%dma_start3A_100 : memref<20480x64xf32, #tpu.memory_space<hbm>>) target(%dma_start3A_94 : memref<256x64xf32, #tpu.memory_space<vmem>>) offsets(%dma_start3A_97 : memref<256xi32, #tpu.memory_space<vmem>>) semaphore(%arg12 : memref<!tpu.dma_semaphore, #tpu.memory_space<semaphore_mem>>)
      %mul3A_101 = arith.constant 2 : i32
      %mul3A_102 = arith.muli %while3A_70, %mul3A_101 : i32
      %add3A_103 = arith.constant 1 : i32
      %add3A_104 = arith.addi %mul3A_102, %add3A_103 : i32
      %dma_wait3A_105 = arith.constant 0 : i32
      %dma_wait3A_106 = arith.constant 1 : i32
      %dma_wait3A_107 = arith.constant 0 : i32
      %dma_wait3A_108 = arith.constant 0 : i32
      %dma_wait3A_109 = tpu.memref_slice %arg11[%dma_wait3A_106, %dma_wait3A_107, %dma_wait3A_108] : memref<2x256x64xf32, #tpu.memory_space<vmem>> -> memref<1x256x64xf32, #tpu.memory_space<vmem>>
      %dma_wait3A_110 = tpu.memref_squeeze %dma_wait3A_109 : memref<1x256x64xf32, #tpu.memory_space<vmem>> -> memref<256x64xf32, #tpu.memory_space<vmem>>
      %dma_wait3A_111 = arith.constant 0 : i32
      %dma_wait3A_112 = tpu.memref_slice %arg9[%dma_wait3A_105, %dma_wait3A_111] : memref<80x256xi32, #tpu.memory_space<vmem>> -> memref<1x256xi32, #tpu.memory_space<vmem>>
      %dma_wait3A_113 = tpu.memref_squeeze %dma_wait3A_112 : memref<1x256xi32, #tpu.memory_space<vmem>> -> memref<256xi32, #tpu.memory_space<vmem>>
      %dma_wait3A_114 = arith.constant 0 : i32
      %dma_wait3A_115 = arith.constant 0 : i32
      %dma_wait3A_116 = tpu.memref_slice %arg2[%dma_wait3A_114, %dma_wait3A_115] : memref<20480x64xf32, #tpu.memory_space<hbm>> -> memref<20480x64xf32, #tpu.memory_space<hbm>>
      tpu.wait_indirect_dma semaphore(%arg13 : memref<!tpu.dma_semaphore, #tpu.memory_space<semaphore_mem>>) src(%dma_wait3A_116 : memref<20480x64xf32, #tpu.memory_space<hbm>>) dst(%dma_wait3A_110 : memref<256x64xf32, #tpu.memory_space<vmem>>)
      %run_scoped3A_117 = arith.constant 1 : i32
      "tpu.region"() ({
        %run_scoped3A_132 = tpu.sem_alloc : memref<!tpu.dma_semaphore, #tpu.memory_space<semaphore_mem>>
        %dma_start3A_133 = arith.constant 0 : i32
        %dma_start3A_134 = arith.constant 0 : i32
        %dma_start3A_135 = tpu.memref_slice %arg11[%run_scoped3A_117, %dma_start3A_133, %dma_start3A_134] : memref<2x256x64xf32, #tpu.memory_space<vmem>> -> memref<1x256x64xf32, #tpu.memory_space<vmem>>
        %dma_start3A_136 = tpu.memref_squeeze %dma_start3A_135 : memref<1x256x64xf32, #tpu.memory_space<vmem>> -> memref<256x64xf32, #tpu.memory_space<vmem>>
        %dma_start3A_137 = arith.constant 0 : i32
        %dma_start3A_138 = tpu.memref_slice %arg10[%add3A_104, %dma_start3A_137] : memref<80x256xi32, #tpu.memory_space<vmem>> -> memref<1x256xi32, #tpu.memory_space<vmem>>
        %dma_start3A_139 = tpu.memref_squeeze %dma_start3A_138 : memref<1x256xi32, #tpu.memory_space<vmem>> -> memref<256xi32, #tpu.memory_space<vmem>>
        %dma_start3A_140 = arith.constant 0 : i32
        %dma_start3A_141 = arith.constant 0 : i32
        %dma_start3A_142 = tpu.memref_slice %arg8[%dma_start3A_140, %dma_start3A_141] : memref<10240x64xf32, #tpu.memory_space<vmem_shared>> -> memref<10240x64xf32, #tpu.memory_space<vmem_shared>>
        tpu.enqueue_indirect_dma source(%dma_start3A_136 : memref<256x64xf32, #tpu.memory_space<vmem>>) target(%dma_start3A_142 : memref<10240x64xf32, #tpu.memory_space<vmem_shared>>) offsets(%dma_start3A_139 : memref<256xi32, #tpu.memory_space<vmem>>) semaphore(%run_scoped3A_132 : memref<!tpu.dma_semaphore, #tpu.memory_space<semaphore_mem>>) {add = true}
        %dma_wait3A_143 = arith.constant 0 : i32
        %dma_wait3A_144 = arith.constant 0 : i32
        %dma_wait3A_145 = tpu.memref_slice %arg11[%run_scoped3A_117, %dma_wait3A_143, %dma_wait3A_144] : memref<2x256x64xf32, #tpu.memory_space<vmem>> -> memref<1x256x64xf32, #tpu.memory_space<vmem>>
        %dma_wait3A_146 = tpu.memref_squeeze %dma_wait3A_145 : memref<1x256x64xf32, #tpu.memory_space<vmem>> -> memref<256x64xf32, #tpu.memory_space<vmem>>
        %dma_wait3A_147 = arith.constant 0 : i32
        %dma_wait3A_148 = tpu.memref_slice %arg10[%add3A_104, %dma_wait3A_147] : memref<80x256xi32, #tpu.memory_space<vmem>> -> memref<1x256xi32, #tpu.memory_space<vmem>>
        %dma_wait3A_149 = tpu.memref_squeeze %dma_wait3A_148 : memref<1x256xi32, #tpu.memory_space<vmem>> -> memref<256xi32, #tpu.memory_space<vmem>>
        %dma_wait3A_150 = arith.constant 0 : i32
        %dma_wait3A_151 = arith.constant 0 : i32
        %dma_wait3A_152 = tpu.memref_slice %arg8[%dma_wait3A_150, %dma_wait3A_151] : memref<10240x64xf32, #tpu.memory_space<vmem_shared>> -> memref<10240x64xf32, #tpu.memory_space<vmem_shared>>
        tpu.wait_indirect_dma semaphore(%run_scoped3A_132 : memref<!tpu.dma_semaphore, #tpu.memory_space<semaphore_mem>>) src(%dma_wait3A_146 : memref<256x64xf32, #tpu.memory_space<vmem>>) dst(%dma_wait3A_152 : memref<10240x64xf32, #tpu.memory_space<vmem_shared>>)
        tpu.yield
      }) : () -> ()
      %add3A_118 = arith.constant 2 : i32
      %add3A_119 = arith.addi %add3A_104, %add3A_118 : i32
      %min3A_120 = arith.minsi %add3A_119, %while3A_31 : i32
      %dma_start3A_121 = arith.constant 1 : i32
      %dma_start3A_122 = arith.constant 0 : i32
      %dma_start3A_123 = arith.constant 0 : i32
      %dma_start3A_124 = tpu.memref_slice %arg11[%dma_start3A_121, %dma_start3A_122, %dma_start3A_123] : memref<2x256x64xf32, #tpu.memory_space<vmem>> -> memref<1x256x64xf32, #tpu.memory_space<vmem>>
      %dma_start3A_125 = tpu.memref_squeeze %dma_start3A_124 : memref<1x256x64xf32, #tpu.memory_space<vmem>> -> memref<256x64xf32, #tpu.memory_space<vmem>>
      %dma_start3A_126 = arith.constant 0 : i32
      %dma_start3A_127 = tpu.memref_slice %arg9[%min3A_120, %dma_start3A_126] : memref<80x256xi32, #tpu.memory_space<vmem>> -> memref<1x256xi32, #tpu.memory_space<vmem>>
      %dma_start3A_128 = tpu.memref_squeeze %dma_start3A_127 : memref<1x256xi32, #tpu.memory_space<vmem>> -> memref<256xi32, #tpu.memory_space<vmem>>
      %dma_start3A_129 = arith.constant 0 : i32
      %dma_start3A_130 = arith.constant 0 : i32
      %dma_start3A_131 = tpu.memref_slice %arg2[%dma_start3A_129, %dma_start3A_130] : memref<20480x64xf32, #tpu.memory_space<hbm>> -> memref<20480x64xf32, #tpu.memory_space<hbm>>
      tpu.enqueue_indirect_dma source(%dma_start3A_131 : memref<20480x64xf32, #tpu.memory_space<hbm>>) target(%dma_start3A_125 : memref<256x64xf32, #tpu.memory_space<vmem>>) offsets(%dma_start3A_128 : memref<256xi32, #tpu.memory_space<vmem>>) semaphore(%arg13 : memref<!tpu.dma_semaphore, #tpu.memory_space<semaphore_mem>>)
    }
    %while3A_41 = arith.constant 1 : i32
    scf.for %while3A_70 = %while3A_39 to %while3A_35 step %while3A_41  : i32 {
      %mul3A_71 = arith.constant 2 : i32
      %mul3A_72 = arith.muli %while3A_70, %mul3A_71 : i32
      %add3A_73 = arith.constant 0 : i32
      %add3A_74 = arith.addi %mul3A_72, %add3A_73 : i32
      %dma_wait3A_75 = arith.constant 0 : i32
      %dma_wait3A_76 = arith.constant 0 : i32
      %dma_wait3A_77 = arith.constant 0 : i32
      %dma_wait3A_78 = arith.constant 0 : i32
      %dma_wait3A_79 = tpu.memref_slice %arg11[%dma_wait3A_76, %dma_wait3A_77, %dma_wait3A_78] : memref<2x256x64xf32, #tpu.memory_space<vmem>> -> memref<1x256x64xf32, #tpu.memory_space<vmem>>
      %dma_wait3A_80 = tpu.memref_squeeze %dma_wait3A_79 : memref<1x256x64xf32, #tpu.memory_space<vmem>> -> memref<256x64xf32, #tpu.memory_space<vmem>>
      %dma_wait3A_81 = arith.constant 0 : i32
      %dma_wait3A_82 = tpu.memref_slice %arg9[%dma_wait3A_75, %dma_wait3A_81] : memref<80x256xi32, #tpu.memory_space<vmem>> -> memref<1x256xi32, #tpu.memory_space<vmem>>
      %dma_wait3A_83 = tpu.memref_squeeze %dma_wait3A_82 : memref<1x256xi32, #tpu.memory_space<vmem>> -> memref<256xi32, #tpu.memory_space<vmem>>
      %dma_wait3A_84 = arith.constant 0 : i32
      %dma_wait3A_85 = arith.constant 0 : i32
      %dma_wait3A_86 = tpu.memref_slice %arg2[%dma_wait3A_84, %dma_wait3A_85] : memref<20480x64xf32, #tpu.memory_space<hbm>> -> memref<20480x64xf32, #tpu.memory_space<hbm>>
      tpu.wait_indirect_dma semaphore(%arg12 : memref<!tpu.dma_semaphore, #tpu.memory_space<semaphore_mem>>) src(%dma_wait3A_86 : memref<20480x64xf32, #tpu.memory_space<hbm>>) dst(%dma_wait3A_80 : memref<256x64xf32, #tpu.memory_space<vmem>>)
      %run_scoped3A = arith.constant 0 : i32
      "tpu.region"() ({
        %run_scoped3A_132 = tpu.sem_alloc : memref<!tpu.dma_semaphore, #tpu.memory_space<semaphore_mem>>
        %dma_start3A_133 = arith.constant 0 : i32
        %dma_start3A_134 = arith.constant 0 : i32
        %dma_start3A_135 = tpu.memref_slice %arg11[%run_scoped3A, %dma_start3A_133, %dma_start3A_134] : memref<2x256x64xf32, #tpu.memory_space<vmem>> -> memref<1x256x64xf32, #tpu.memory_space<vmem>>
        %dma_start3A_136 = tpu.memref_squeeze %dma_start3A_135 : memref<1x256x64xf32, #tpu.memory_space<vmem>> -> memref<256x64xf32, #tpu.memory_space<vmem>>
        %dma_start3A_137 = arith.constant 0 : i32
        %dma_start3A_138 = tpu.memref_slice %arg10[%add3A_74, %dma_start3A_137] : memref<80x256xi32, #tpu.memory_space<vmem>> -> memref<1x256xi32, #tpu.memory_space<vmem>>
        %dma_start3A_139 = tpu.memref_squeeze %dma_start3A_138 : memref<1x256xi32, #tpu.memory_space<vmem>> -> memref<256xi32, #tpu.memory_space<vmem>>
        %dma_start3A_140 = arith.constant 0 : i32
        %dma_start3A_141 = arith.constant 0 : i32
        %dma_start3A_142 = tpu.memref_slice %arg8[%dma_start3A_140, %dma_start3A_141] : memref<10240x64xf32, #tpu.memory_space<vmem_shared>> -> memref<10240x64xf32, #tpu.memory_space<vmem_shared>>
        tpu.enqueue_indirect_dma source(%dma_start3A_136 : memref<256x64xf32, #tpu.memory_space<vmem>>) target(%dma_start3A_142 : memref<10240x64xf32, #tpu.memory_space<vmem_shared>>) offsets(%dma_start3A_139 : memref<256xi32, #tpu.memory_space<vmem>>) semaphore(%run_scoped3A_132 : memref<!tpu.dma_semaphore, #tpu.memory_space<semaphore_mem>>) {add = true}
        %dma_wait3A_143 = arith.constant 0 : i32
        %dma_wait3A_144 = arith.constant 0 : i32
        %dma_wait3A_145 = tpu.memref_slice %arg11[%run_scoped3A, %dma_wait3A_143, %dma_wait3A_144] : memref<2x256x64xf32, #tpu.memory_space<vmem>> -> memref<1x256x64xf32, #tpu.memory_space<vmem>>
        %dma_wait3A_146 = tpu.memref_squeeze %dma_wait3A_145 : memref<1x256x64xf32, #tpu.memory_space<vmem>> -> memref<256x64xf32, #tpu.memory_space<vmem>>
        %dma_wait3A_147 = arith.constant 0 : i32
        %dma_wait3A_148 = tpu.memref_slice %arg10[%add3A_74, %dma_wait3A_147] : memref<80x256xi32, #tpu.memory_space<vmem>> -> memref<1x256xi32, #tpu.memory_space<vmem>>
        %dma_wait3A_149 = tpu.memref_squeeze %dma_wait3A_148 : memref<1x256xi32, #tpu.memory_space<vmem>> -> memref<256xi32, #tpu.memory_space<vmem>>
        %dma_wait3A_150 = arith.constant 0 : i32
        %dma_wait3A_151 = arith.constant 0 : i32
        %dma_wait3A_152 = tpu.memref_slice %arg8[%dma_wait3A_150, %dma_wait3A_151] : memref<10240x64xf32, #tpu.memory_space<vmem_shared>> -> memref<10240x64xf32, #tpu.memory_space<vmem_shared>>
        tpu.wait_indirect_dma semaphore(%run_scoped3A_132 : memref<!tpu.dma_semaphore, #tpu.memory_space<semaphore_mem>>) src(%dma_wait3A_146 : memref<256x64xf32, #tpu.memory_space<vmem>>) dst(%dma_wait3A_152 : memref<10240x64xf32, #tpu.memory_space<vmem_shared>>)
        tpu.yield
      }) : () -> ()
      %add3A_87 = arith.constant 2 : i32
      %add3A_88 = arith.addi %add3A_74, %add3A_87 : i32
      %min3A_89 = arith.minsi %add3A_88, %while3A_31 : i32
      %dma_start3A_90 = arith.constant 0 : i32
      %dma_start3A_91 = arith.constant 0 : i32
      %dma_start3A_92 = arith.constant 0 : i32
      %dma_start3A_93 = tpu.memref_slice %arg11[%dma_start3A_90, %dma_start3A_91, %dma_start3A_92] : memref<2x256x64xf32, #tpu.memory_space<vmem>> -> memref<1x256x64xf32, #tpu.memory_space<vmem>>
      %dma_start3A_94 = tpu.memref_squeeze %dma_start3A_93 : memref<1x256x64xf32, #tpu.memory_space<vmem>> -> memref<256x64xf32, #tpu.memory_space<vmem>>
      %dma_start3A_95 = arith.constant 0 : i32
      %dma_start3A_96 = tpu.memref_slice %arg9[%min3A_89, %dma_start3A_95] : memref<80x256xi32, #tpu.memory_space<vmem>> -> memref<1x256xi32, #tpu.memory_space<vmem>>
      %dma_start3A_97 = tpu.memref_squeeze %dma_start3A_96 : memref<1x256xi32, #tpu.memory_space<vmem>> -> memref<256xi32, #tpu.memory_space<vmem>>
      %dma_start3A_98 = arith.constant 0 : i32
      %dma_start3A_99 = arith.constant 0 : i32
      %dma_start3A_100 = tpu.memref_slice %arg2[%dma_start3A_98, %dma_start3A_99] : memref<20480x64xf32, #tpu.memory_space<hbm>> -> memref<20480x64xf32, #tpu.memory_space<hbm>>
      tpu.enqueue_indirect_dma source(%dma_start3A_100 : memref<20480x64xf32, #tpu.memory_space<hbm>>) target(%dma_start3A_94 : memref<256x64xf32, #tpu.memory_space<vmem>>) offsets(%dma_start3A_97 : memref<256xi32, #tpu.memory_space<vmem>>) semaphore(%arg12 : memref<!tpu.dma_semaphore, #tpu.memory_space<semaphore_mem>>)
      %mul3A_101 = arith.constant 2 : i32
      %mul3A_102 = arith.muli %while3A_70, %mul3A_101 : i32
      %add3A_103 = arith.constant 1 : i32
      %add3A_104 = arith.addi %mul3A_102, %add3A_103 : i32
      %dma_wait3A_105 = arith.constant 0 : i32
      %dma_wait3A_106 = arith.constant 1 : i32
      %dma_wait3A_107 = arith.constant 0 : i32
      %dma_wait3A_108 = arith.constant 0 : i32
      %dma_wait3A_109 = tpu.memref_slice %arg11[%dma_wait3A_106, %dma_wait3A_107, %dma_wait3A_108] : memref<2x256x64xf32, #tpu.memory_space<vmem>> -> memref<1x256x64xf32, #tpu.memory_space<vmem>>
      %dma_wait3A_110 = tpu.memref_squeeze %dma_wait3A_109 : memref<1x256x64xf32, #tpu.memory_space<vmem>> -> memref<256x64xf32, #tpu.memory_space<vmem>>
      %dma_wait3A_111 = arith.constant 0 : i32
      %dma_wait3A_112 = tpu.memref_slice %arg9[%dma_wait3A_105, %dma_wait3A_111] : memref<80x256xi32, #tpu.memory_space<vmem>> -> memref<1x256xi32, #tpu.memory_space<vmem>>
      %dma_wait3A_113 = tpu.memref_squeeze %dma_wait3A_112 : memref<1x256xi32, #tpu.memory_space<vmem>> -> memref<256xi32, #tpu.memory_space<vmem>>
      %dma_wait3A_114 = arith.constant 0 : i32
      %dma_wait3A_115 = arith.constant 0 : i32
      %dma_wait3A_116 = tpu.memref_slice %arg2[%dma_wait3A_114, %dma_wait3A_115] : memref<20480x64xf32, #tpu.memory_space<hbm>> -> memref<20480x64xf32, #tpu.memory_space<hbm>>
      tpu.wait_indirect_dma semaphore(%arg13 : memref<!tpu.dma_semaphore, #tpu.memory_space<semaphore_mem>>) src(%dma_wait3A_116 : memref<20480x64xf32, #tpu.memory_space<hbm>>) dst(%dma_wait3A_110 : memref<256x64xf32, #tpu.memory_space<vmem>>)
      %run_scoped3A_117 = arith.constant 1 : i32
      "tpu.region"() ({
        %run_scoped3A_132 = tpu.sem_alloc : memref<!tpu.dma_semaphore, #tpu.memory_space<semaphore_mem>>
        %dma_start3A_133 = arith.constant 0 : i32
        %dma_start3A_134 = arith.constant 0 : i32
        %dma_start3A_135 = tpu.memref_slice %arg11[%run_scoped3A_117, %dma_start3A_133, %dma_start3A_134] : memref<2x256x64xf32, #tpu.memory_space<vmem>> -> memref<1x256x64xf32, #tpu.memory_space<vmem>>
        %dma_start3A_136 = tpu.memref_squeeze %dma_start3A_135 : memref<1x256x64xf32, #tpu.memory_space<vmem>> -> memref<256x64xf32, #tpu.memory_space<vmem>>
        %dma_start3A_137 = arith.constant 0 : i32
        %dma_start3A_138 = tpu.memref_slice %arg10[%add3A_104, %dma_start3A_137] : memref<80x256xi32, #tpu.memory_space<vmem>> -> memref<1x256xi32, #tpu.memory_space<vmem>>
        %dma_start3A_139 = tpu.memref_squeeze %dma_start3A_138 : memref<1x256xi32, #tpu.memory_space<vmem>> -> memref<256xi32, #tpu.memory_space<vmem>>
        %dma_start3A_140 = arith.constant 0 : i32
        %dma_start3A_141 = arith.constant 0 : i32
        %dma_start3A_142 = tpu.memref_slice %arg8[%dma_start3A_140, %dma_start3A_141] : memref<10240x64xf32, #tpu.memory_space<vmem_shared>> -> memref<10240x64xf32, #tpu.memory_space<vmem_shared>>
        tpu.enqueue_indirect_dma source(%dma_start3A_136 : memref<256x64xf32, #tpu.memory_space<vmem>>) target(%dma_start3A_142 : memref<10240x64xf32, #tpu.memory_space<vmem_shared>>) offsets(%dma_start3A_139 : memref<256xi32, #tpu.memory_space<vmem>>) semaphore(%run_scoped3A_132 : memref<!tpu.dma_semaphore, #tpu.memory_space<semaphore_mem>>) {add = true}
        %dma_wait3A_143 = arith.constant 0 : i32
        %dma_wait3A_144 = arith.constant 0 : i32
        %dma_wait3A_145 = tpu.memref_slice %arg11[%run_scoped3A_117, %dma_wait3A_143, %dma_wait3A_144] : memref<2x256x64xf32, #tpu.memory_space<vmem>> -> memref<1x256x64xf32, #tpu.memory_space<vmem>>
        %dma_wait3A_146 = tpu.memref_squeeze %dma_wait3A_145 : memref<1x256x64xf32, #tpu.memory_space<vmem>> -> memref<256x64xf32, #tpu.memory_space<vmem>>
        %dma_wait3A_147 = arith.constant 0 : i32
        %dma_wait3A_148 = tpu.memref_slice %arg10[%add3A_104, %dma_wait3A_147] : memref<80x256xi32, #tpu.memory_space<vmem>> -> memref<1x256xi32, #tpu.memory_space<vmem>>
        %dma_wait3A_149 = tpu.memref_squeeze %dma_wait3A_148 : memref<1x256xi32, #tpu.memory_space<vmem>> -> memref<256xi32, #tpu.memory_space<vmem>>
        %dma_wait3A_150 = arith.constant 0 : i32
        %dma_wait3A_151 = arith.constant 0 : i32
        %dma_wait3A_152 = tpu.memref_slice %arg8[%dma_wait3A_150, %dma_wait3A_151] : memref<10240x64xf32, #tpu.memory_space<vmem_shared>> -> memref<10240x64xf32, #tpu.memory_space<vmem_shared>>
        tpu.wait_indirect_dma semaphore(%run_scoped3A_132 : memref<!tpu.dma_semaphore, #tpu.memory_space<semaphore_mem>>) src(%dma_wait3A_146 : memref<256x64xf32, #tpu.memory_space<vmem>>) dst(%dma_wait3A_152 : memref<10240x64xf32, #tpu.memory_space<vmem_shared>>)
        tpu.yield
      }) : () -> ()
      %add3A_118 = arith.constant 2 : i32
      %add3A_119 = arith.addi %add3A_104, %add3A_118 : i32
      %min3A_120 = arith.minsi %add3A_119, %while3A_31 : i32
      %dma_start3A_121 = arith.constant 1 : i32
      %dma_start3A_122 = arith.constant 0 : i32
      %dma_start3A_123 = arith.constant 0 : i32
      %dma_start3A_124 = tpu.memref_slice %arg11[%dma_start3A_121, %dma_start3A_122, %dma_start3A_123] : memref<2x256x64xf32, #tpu.memory_space<vmem>> -> memref<1x256x64xf32, #tpu.memory_space<vmem>>
      %dma_start3A_125 = tpu.memref_squeeze %dma_start3A_124 : memref<1x256x64xf32, #tpu.memory_space<vmem>> -> memref<256x64xf32, #tpu.memory_space<vmem>>
      %dma_start3A_126 = arith.constant 0 : i32
      %dma_start3A_127 = tpu.memref_slice %arg9[%min3A_120, %dma_start3A_126] : memref<80x256xi32, #tpu.memory_space<vmem>> -> memref<1x256xi32, #tpu.memory_space<vmem>>
      %dma_start3A_128 = tpu.memref_squeeze %dma_start3A_127 : memref<1x256xi32, #tpu.memory_space<vmem>> -> memref<256xi32, #tpu.memory_space<vmem>>
      %dma_start3A_129 = arith.constant 0 : i32
      %dma_start3A_130 = arith.constant 0 : i32
      %dma_start3A_131 = tpu.memref_slice %arg2[%dma_start3A_129, %dma_start3A_130] : memref<20480x64xf32, #tpu.memory_space<hbm>> -> memref<20480x64xf32, #tpu.memory_space<hbm>>
      tpu.enqueue_indirect_dma source(%dma_start3A_131 : memref<20480x64xf32, #tpu.memory_space<hbm>>) target(%dma_start3A_125 : memref<256x64xf32, #tpu.memory_space<vmem>>) offsets(%dma_start3A_128 : memref<256xi32, #tpu.memory_space<vmem>>) semaphore(%arg13 : memref<!tpu.dma_semaphore, #tpu.memory_space<semaphore_mem>>)
    }
    %dma_wait3A = arith.constant 0 : i32
    %dma_wait3A_42 = arith.constant 0 : i32
    %dma_wait3A_43 = arith.constant 0 : i32
    %dma_wait3A_44 = arith.constant 0 : i32
    %dma_wait3A_45 = tpu.memref_slice %arg11[%dma_wait3A_42, %dma_wait3A_43, %dma_wait3A_44] : memref<2x256x64xf32, #tpu.memory_space<vmem>> -> memref<1x256x64xf32, #tpu.memory_space<vmem>>
    %dma_wait3A_46 = tpu.memref_squeeze %dma_wait3A_45 : memref<1x256x64xf32, #tpu.memory_space<vmem>> -> memref<256x64xf32, #tpu.memory_space<vmem>>
    %dma_wait3A_47 = arith.constant 0 : i32
    %dma_wait3A_48 = tpu.memref_slice %arg9[%dma_wait3A, %dma_wait3A_47] : memref<80x256xi32, #tpu.memory_space<vmem>> -> memref<1x256xi32, #tpu.memory_space<vmem>>
    %dma_wait3A_49 = tpu.memref_squeeze %dma_wait3A_48 : memref<1x256xi32, #tpu.memory_space<vmem>> -> memref<256xi32, #tpu.memory_space<vmem>>
    %dma_wait3A_50 = arith.constant 0 : i32
    %dma_wait3A_51 = arith.constant 0 : i32
    %dma_wait3A_52 = tpu.memref_slice %arg2[%dma_wait3A_50, %dma_wait3A_51] : memref<20480x64xf32, #tpu.memory_space<hbm>> -> memref<20480x64xf32, #tpu.memory_space<hbm>>
    tpu.wait_indirect_dma semaphore(%arg12 : memref<!tpu.dma_semaphore, #tpu.memory_space<semaphore_mem>>) src(%dma_wait3A_52 : memref<20480x64xf32, #tpu.memory_space<hbm>>) dst(%dma_wait3A_46 : memref<256x64xf32, #tpu.memory_space<vmem>>)
    %dma_wait3A_53 = arith.constant 0 : i32
    %dma_wait3A_54 = arith.constant 1 : i32
    %dma_wait3A_55 = arith.constant 0 : i32
    %dma_wait3A_56 = arith.constant 0 : i32
    %dma_wait3A_57 = tpu.memref_slice %arg11[%dma_wait3A_54, %dma_wait3A_55, %dma_wait3A_56] : memref<2x256x64xf32, #tpu.memory_space<vmem>> -> memref<1x256x64xf32, #tpu.memory_space<vmem>>
    %dma_wait3A_58 = tpu.memref_squeeze %dma_wait3A_57 : memref<1x256x64xf32, #tpu.memory_space<vmem>> -> memref<256x64xf32, #tpu.memory_space<vmem>>
    %dma_wait3A_59 = arith.constant 0 : i32
    %dma_wait3A_60 = tpu.memref_slice %arg9[%dma_wait3A_53, %dma_wait3A_59] : memref<80x256xi32, #tpu.memory_space<vmem>> -> memref<1x256xi32, #tpu.memory_space<vmem>>
    %dma_wait3A_61 = tpu.memref_squeeze %dma_wait3A_60 : memref<1x256xi32, #tpu.memory_space<vmem>> -> memref<256xi32, #tpu.memory_space<vmem>>
    %dma_wait3A_62 = arith.constant 0 : i32
    %dma_wait3A_63 = arith.constant 0 : i32
    %dma_wait3A_64 = tpu.memref_slice %arg2[%dma_wait3A_62, %dma_wait3A_63] : memref<20480x64xf32, #tpu.memory_space<hbm>> -> memref<20480x64xf32, #tpu.memory_space<hbm>>
    tpu.wait_indirect_dma semaphore(%arg13 : memref<!tpu.dma_semaphore, #tpu.memory_space<semaphore_mem>>) src(%dma_wait3A_64 : memref<20480x64xf32, #tpu.memory_space<hbm>>) dst(%dma_wait3A_58 : memref<256x64xf32, #tpu.memory_space<vmem>>)
    %barrier3A_65 = arith.constant 0 : index
    tpu.barrier barrier_id(%barrier3A_65)
    %mul3A_66 = arith.constant 10240 : i32
    %mul3A_67 = arith.muli %arg0, %mul3A_66 : i32
    %add3A_68 = arith.addi %mul3A_67, %mul3A_0 : i32
    %multiple_of3A_69 = tpu.assume_multiple %add3A_68, 640 : i32
    "tpu.region"() ({
      %run_scoped3A = tpu.sem_alloc : memref<!tpu.dma_semaphore, #tpu.memory_space<semaphore_mem>>
      %dma_start3A_70 = arith.constant 0 : i32
      %dma_start3A_71 = tpu.memref_slice %arg7[%multiple_of3A_69, %dma_start3A_70] : memref<20480x64xf32, #tpu.memory_space<hbm>> -> memref<640x64xf32, #tpu.memory_space<hbm>>
      %dma_start3A_72 = arith.constant 0 : i32
      %dma_start3A_73 = tpu.memref_slice %arg8[%mul3A_0, %dma_start3A_72] : memref<10240x64xf32, #tpu.memory_space<vmem_shared>> -> memref<640x64xf32, #tpu.memory_space<vmem_shared>>
      tpu.enqueue_dma source(%dma_start3A_73 : memref<640x64xf32, #tpu.memory_space<vmem_shared>>) target(%dma_start3A_71 : memref<640x64xf32, #tpu.memory_space<hbm>>) target_semaphore(%run_scoped3A : memref<!tpu.dma_semaphore, #tpu.memory_space<semaphore_mem>>)
      %dma_wait3A_74 = arith.constant 0 : i32
      %dma_wait3A_75 = tpu.memref_slice %arg7[%multiple_of3A_69, %dma_wait3A_74] : memref<20480x64xf32, #tpu.memory_space<hbm>> -> memref<640x64xf32, #tpu.memory_space<hbm>>
      %dma_wait3A_76 = arith.constant 0 : i32
      %dma_wait3A_77 = tpu.memref_slice %arg8[%mul3A_0, %dma_wait3A_76] : memref<10240x64xf32, #tpu.memory_space<vmem_shared>> -> memref<640x64xf32, #tpu.memory_space<vmem_shared>>
      tpu.wait_dma2 semaphore(%run_scoped3A : memref<!tpu.dma_semaphore, #tpu.memory_space<semaphore_mem>>) src(%dma_wait3A_77 : memref<640x64xf32, #tpu.memory_space<vmem_shared>>) dst(%dma_wait3A_75 : memref<640x64xf32, #tpu.memory_space<hbm>>)
      tpu.yield
    }) : () -> ()
    return
  }
}

module attributes {stable_mosaic.version = 14 : i64} {
  func.func @_tc_body(%arg0: i32, %arg1: memref<5120x64xf32, #tpu.memory_space<vmem>>, %arg2: memref<5120x64xf32, #tpu.memory_space<vmem>>, %arg3: memref<5120x1xf32, #tpu.memory_space<vmem>>, %arg4: memref<1x128x64xf32, #tpu.memory_space<vmem>>, %arg5: memref<1x128x64xf32, #tpu.memory_space<vmem>>, %arg6: memref<1x1x128xf32, #tpu.memory_space<vmem>>, %arg7: memref<1x192x128xf32, #tpu.memory_space<vmem>>, %arg8: memref<1x192x64xf32, #tpu.memory_space<vmem>>, %arg9: memref<1x3x64xf32, #tpu.memory_space<vmem>>, %arg10: memref<1x3x64xf32, #tpu.memory_space<vmem>>, %arg11: memref<5120x64xf32, #tpu.memory_space<vmem>>) attributes {dimension_semantics = [#tpu.dimension_semantics<arbitrary>], iteration_bounds = array<i64: 4>, scalar_prefetch = 0 : i64, scratch_operands = 0 : i64, tpu.core_type = #tpu.core_type<tc>, window_params = [{transform_indices = @transform_0, window_bounds = array<i64: 5120, 64>}, {transform_indices = @transform_1, window_bounds = array<i64: 5120, 64>}, {transform_indices = @transform_2, window_bounds = array<i64: 5120, 1>}, {transform_indices = @transform_3, window_bounds = array<i64: 1, 128, 64>}, {transform_indices = @transform_4, window_bounds = array<i64: 1, 128, 64>}, {transform_indices = @transform_5, window_bounds = array<i64: 1, 1, 128>}, {transform_indices = @transform_6, window_bounds = array<i64: 1, 192, 128>}, {transform_indices = @transform_7, window_bounds = array<i64: 1, 192, 64>}, {transform_indices = @transform_8, window_bounds = array<i64: 1, 3, 64>}, {transform_indices = @transform_9, window_bounds = array<i64: 1, 3, 64>}, {transform_indices = @transform_10, window_bounds = array<i64: 5120, 64>}]} {
    %get3A = arith.constant 0 : index
    %get3A_0 = arith.constant 0 : index
    %get3A_1 = vector.load %arg1[%get3A, %get3A_0] : memref<5120x64xf32, #tpu.memory_space<vmem>>, vector<5120x64xf32>
    %get3A_2 = arith.constant 0 : index
    %get3A_3 = arith.constant 0 : index
    %get3A_4 = vector.load %arg2[%get3A_2, %get3A_3] : memref<5120x64xf32, #tpu.memory_space<vmem>>, vector<5120x64xf32>
    %get3A_5 = arith.constant 0 : index
    %get3A_6 = arith.constant 0 : index
    %get3A_7 = vector.load %arg3[%get3A_5, %get3A_6] : memref<5120x1xf32, #tpu.memory_space<vmem>>, vector<5120x1xf32>
    %get3A_8 = arith.constant 0 : index
    %get3A_9 = arith.constant 0 : index
    %get3A_10 = arith.constant 0 : index
    %get3A_11 = vector.load %arg5[%get3A_8, %get3A_9, %get3A_10] : memref<1x128x64xf32, #tpu.memory_space<vmem>>, vector<1x128x64xf32>
    %get3A_12 = vector.shape_cast %get3A_11 : vector<1x128x64xf32> to vector<128x64xf32>
    %dot_general3A = arith.constant dense<0.000000e+00> : vector<5120x128xf32>
    %dot_general3A_13 = tpu.matmul %get3A_4, %get3A_12, %dot_general3A {dimension_numbers = #tpu.dot_dimension_numbers<[1], [1], [0], [0], [0, 0, 1, 0], [], []>, transpose_lhs_hint = false} : vector<5120x64xf32>, vector<128x64xf32>, vector<5120x128xf32> -> vector<5120x128xf32>
    %get3A_14 = arith.constant 0 : index
    %get3A_15 = arith.constant 0 : index
    %get3A_16 = arith.constant 0 : index
    %get3A_17 = vector.load %arg6[%get3A_14, %get3A_15, %get3A_16] : memref<1x1x128xf32, #tpu.memory_space<vmem>>, vector<1x1x128xf32>
    %get3A_18 = vector.shape_cast %get3A_17 : vector<1x1x128xf32> to vector<1x128xf32>
    %add3A = vector.broadcast %get3A_18 : vector<1x128xf32> to vector<5120x128xf32>
    %add3A_19 = arith.addf %dot_general3A_13, %add3A : vector<5120x128xf32>
    %get3A_20 = arith.constant 0 : index
    %get3A_21 = arith.constant 0 : index
    %get3A_22 = arith.constant 0 : index
    %get3A_23 = vector.load %arg4[%get3A_20, %get3A_21, %get3A_22] : memref<1x128x64xf32, #tpu.memory_space<vmem>>, vector<1x128x64xf32>
    %get3A_24 = vector.shape_cast %get3A_23 : vector<1x128x64xf32> to vector<128x64xf32>
    %dot_general3A_25 = arith.constant dense<0.000000e+00> : vector<5120x128xf32>
    %dot_general3A_26 = tpu.matmul %get3A_1, %get3A_24, %dot_general3A_25 {dimension_numbers = #tpu.dot_dimension_numbers<[1], [1], [0], [0], [0, 0, 1, 0], [], []>, transpose_lhs_hint = false} : vector<5120x64xf32>, vector<128x64xf32>, vector<5120x128xf32> -> vector<5120x128xf32>
    %mul3A = vector.broadcast %get3A_7 : vector<5120x1xf32> to vector<5120x128xf32>
    %mul3A_27 = arith.mulf %mul3A, %add3A_19 : vector<5120x128xf32>
    %add3A_28 = arith.addf %dot_general3A_26, %mul3A_27 : vector<5120x128xf32>
    %get3A_29 = arith.constant 0 : index
    %get3A_30 = arith.constant 0 : index
    %get3A_31 = arith.constant 0 : index
    %get3A_32 = vector.load %arg7[%get3A_29, %get3A_30, %get3A_31] : memref<1x192x128xf32, #tpu.memory_space<vmem>>, vector<1x64x128xf32>
    %get3A_33 = vector.shape_cast %get3A_32 : vector<1x64x128xf32> to vector<64x128xf32>
    %dot_general3A_34 = arith.constant dense<0.000000e+00> : vector<5120x64xf32>
    %dot_general3A_35 = tpu.matmul %add3A_28, %get3A_33, %dot_general3A_34 {dimension_numbers = #tpu.dot_dimension_numbers<[1], [1], [0], [0], [0, 0, 1, 0], [], []>, transpose_lhs_hint = false} : vector<5120x128xf32>, vector<64x128xf32>, vector<5120x64xf32> -> vector<5120x64xf32>
    %get3A_36 = arith.constant 0 : index
    %get3A_37 = arith.constant 0 : index
    %get3A_38 = arith.constant 0 : index
    %get3A_39 = vector.load %arg9[%get3A_36, %get3A_37, %get3A_38] : memref<1x3x64xf32, #tpu.memory_space<vmem>>, vector<1x1x64xf32>
    %get3A_40 = vector.shape_cast %get3A_39 : vector<1x1x64xf32> to vector<1x64xf32>
    %add3A_41 = vector.broadcast %get3A_40 : vector<1x64xf32> to vector<5120x64xf32>
    %add3A_42 = arith.addf %dot_general3A_35, %add3A_41 : vector<5120x64xf32>
    %get3A_43 = arith.constant 0 : index
    %get3A_44 = arith.constant 0 : index
    %get3A_45 = arith.constant 0 : index
    %get3A_46 = vector.load %arg8[%get3A_43, %get3A_44, %get3A_45] : memref<1x192x64xf32, #tpu.memory_space<vmem>>, vector<1x64x64xf32>
    %get3A_47 = vector.shape_cast %get3A_46 : vector<1x64x64xf32> to vector<64x64xf32>
    %dot_general3A_48 = arith.constant dense<0.000000e+00> : vector<5120x64xf32>
    %dot_general3A_49 = tpu.matmul %get3A_4, %get3A_47, %dot_general3A_48 {dimension_numbers = #tpu.dot_dimension_numbers<[1], [1], [0], [0], [0, 0, 1, 0], [], []>, transpose_lhs_hint = false} : vector<5120x64xf32>, vector<64x64xf32>, vector<5120x64xf32> -> vector<5120x64xf32>
    %add3A_50 = arith.addf %add3A_42, %dot_general3A_49 : vector<5120x64xf32>
    %get3A_51 = arith.constant 0 : index
    %get3A_52 = arith.constant 0 : index
    %get3A_53 = arith.constant 0 : index
    %get3A_54 = vector.load %arg10[%get3A_51, %get3A_52, %get3A_53] : memref<1x3x64xf32, #tpu.memory_space<vmem>>, vector<1x1x64xf32>
    %get3A_55 = vector.shape_cast %get3A_54 : vector<1x1x64xf32> to vector<1x64xf32>
    %add3A_56 = vector.broadcast %get3A_55 : vector<1x64xf32> to vector<5120x64xf32>
    %add3A_57 = arith.addf %add3A_50, %add3A_56 : vector<5120x64xf32>
    %logistic3A = arith.negf %add3A_57 : vector<5120x64xf32>
    %logistic3A_58 = math.exp %logistic3A : vector<5120x64xf32>
    %logistic3A_59 = arith.constant 1.000000e+00 : f32
    %logistic3A_60 = vector.broadcast %logistic3A_59 : f32 to vector<5120x64xf32>
    %logistic3A_61 = arith.addf %logistic3A_60, %logistic3A_58 : vector<5120x64xf32>
    %logistic3A_62 = arith.divf %logistic3A_60, %logistic3A_61 : vector<5120x64xf32>
    %get3A_63 = arith.constant 0 : index
    %get3A_64 = arith.constant 64 : index
    %get3A_65 = arith.constant 0 : index
    %get3A_66 = vector.load %arg7[%get3A_63, %get3A_64, %get3A_65] : memref<1x192x128xf32, #tpu.memory_space<vmem>>, vector<1x64x128xf32>
    %get3A_67 = vector.shape_cast %get3A_66 : vector<1x64x128xf32> to vector<64x128xf32>
    %dot_general3A_68 = arith.constant dense<0.000000e+00> : vector<5120x64xf32>
    %dot_general3A_69 = tpu.matmul %add3A_28, %get3A_67, %dot_general3A_68 {dimension_numbers = #tpu.dot_dimension_numbers<[1], [1], [0], [0], [0, 0, 1, 0], [], []>, transpose_lhs_hint = false} : vector<5120x128xf32>, vector<64x128xf32>, vector<5120x64xf32> -> vector<5120x64xf32>
    %get3A_70 = arith.constant 0 : index
    %get3A_71 = arith.constant 1 : index
    %get3A_72 = arith.constant 0 : index
    %get3A_73 = vector.load %arg9[%get3A_70, %get3A_71, %get3A_72] : memref<1x3x64xf32, #tpu.memory_space<vmem>>, vector<1x1x64xf32>
    %get3A_74 = vector.shape_cast %get3A_73 : vector<1x1x64xf32> to vector<1x64xf32>
    %add3A_75 = vector.broadcast %get3A_74 : vector<1x64xf32> to vector<5120x64xf32>
    %add3A_76 = arith.addf %dot_general3A_69, %add3A_75 : vector<5120x64xf32>
    %get3A_77 = arith.constant 0 : index
    %get3A_78 = arith.constant 64 : index
    %get3A_79 = arith.constant 0 : index
    %get3A_80 = vector.load %arg8[%get3A_77, %get3A_78, %get3A_79] : memref<1x192x64xf32, #tpu.memory_space<vmem>>, vector<1x64x64xf32>
    %get3A_81 = vector.shape_cast %get3A_80 : vector<1x64x64xf32> to vector<64x64xf32>
    %dot_general3A_82 = arith.constant dense<0.000000e+00> : vector<5120x64xf32>
    %dot_general3A_83 = tpu.matmul %get3A_4, %get3A_81, %dot_general3A_82 {dimension_numbers = #tpu.dot_dimension_numbers<[1], [1], [0], [0], [0, 0, 1, 0], [], []>, transpose_lhs_hint = false} : vector<5120x64xf32>, vector<64x64xf32>, vector<5120x64xf32> -> vector<5120x64xf32>
    %add3A_84 = arith.addf %add3A_76, %dot_general3A_83 : vector<5120x64xf32>
    %get3A_85 = arith.constant 0 : index
    %get3A_86 = arith.constant 1 : index
    %get3A_87 = arith.constant 0 : index
    %get3A_88 = vector.load %arg10[%get3A_85, %get3A_86, %get3A_87] : memref<1x3x64xf32, #tpu.memory_space<vmem>>, vector<1x1x64xf32>
    %get3A_89 = vector.shape_cast %get3A_88 : vector<1x1x64xf32> to vector<1x64xf32>
    %add3A_90 = vector.broadcast %get3A_89 : vector<1x64xf32> to vector<5120x64xf32>
    %add3A_91 = arith.addf %add3A_84, %add3A_90 : vector<5120x64xf32>
    %logistic3A_92 = arith.negf %add3A_91 : vector<5120x64xf32>
    %logistic3A_93 = math.exp %logistic3A_92 : vector<5120x64xf32>
    %logistic3A_94 = arith.constant 1.000000e+00 : f32
    %logistic3A_95 = vector.broadcast %logistic3A_94 : f32 to vector<5120x64xf32>
    %logistic3A_96 = arith.addf %logistic3A_95, %logistic3A_93 : vector<5120x64xf32>
    %logistic3A_97 = arith.divf %logistic3A_95, %logistic3A_96 : vector<5120x64xf32>
    %get3A_98 = arith.constant 0 : index
    %get3A_99 = arith.constant 128 : index
    %get3A_100 = arith.constant 0 : index
    %get3A_101 = vector.load %arg7[%get3A_98, %get3A_99, %get3A_100] : memref<1x192x128xf32, #tpu.memory_space<vmem>>, vector<1x64x128xf32>
    %get3A_102 = vector.shape_cast %get3A_101 : vector<1x64x128xf32> to vector<64x128xf32>
    %dot_general3A_103 = arith.constant dense<0.000000e+00> : vector<5120x64xf32>
    %dot_general3A_104 = tpu.matmul %add3A_28, %get3A_102, %dot_general3A_103 {dimension_numbers = #tpu.dot_dimension_numbers<[1], [1], [0], [0], [0, 0, 1, 0], [], []>, transpose_lhs_hint = false} : vector<5120x128xf32>, vector<64x128xf32>, vector<5120x64xf32> -> vector<5120x64xf32>
    %get3A_105 = arith.constant 0 : index
    %get3A_106 = arith.constant 2 : index
    %get3A_107 = arith.constant 0 : index
    %get3A_108 = vector.load %arg9[%get3A_105, %get3A_106, %get3A_107] : memref<1x3x64xf32, #tpu.memory_space<vmem>>, vector<1x1x64xf32>
    %get3A_109 = vector.shape_cast %get3A_108 : vector<1x1x64xf32> to vector<1x64xf32>
    %add3A_110 = vector.broadcast %get3A_109 : vector<1x64xf32> to vector<5120x64xf32>
    %add3A_111 = arith.addf %dot_general3A_104, %add3A_110 : vector<5120x64xf32>
    %get3A_112 = arith.constant 0 : index
    %get3A_113 = arith.constant 128 : index
    %get3A_114 = arith.constant 0 : index
    %get3A_115 = vector.load %arg8[%get3A_112, %get3A_113, %get3A_114] : memref<1x192x64xf32, #tpu.memory_space<vmem>>, vector<1x64x64xf32>
    %get3A_116 = vector.shape_cast %get3A_115 : vector<1x64x64xf32> to vector<64x64xf32>
    %dot_general3A_117 = arith.constant dense<0.000000e+00> : vector<5120x64xf32>
    %dot_general3A_118 = tpu.matmul %get3A_4, %get3A_116, %dot_general3A_117 {dimension_numbers = #tpu.dot_dimension_numbers<[1], [1], [0], [0], [0, 0, 1, 0], [], []>, transpose_lhs_hint = false} : vector<5120x64xf32>, vector<64x64xf32>, vector<5120x64xf32> -> vector<5120x64xf32>
    %get3A_119 = arith.constant 0 : index
    %get3A_120 = arith.constant 2 : index
    %get3A_121 = arith.constant 0 : index
    %get3A_122 = vector.load %arg10[%get3A_119, %get3A_120, %get3A_121] : memref<1x3x64xf32, #tpu.memory_space<vmem>>, vector<1x1x64xf32>
    %get3A_123 = vector.shape_cast %get3A_122 : vector<1x1x64xf32> to vector<1x64xf32>
    %add3A_124 = vector.broadcast %get3A_123 : vector<1x64xf32> to vector<5120x64xf32>
    %add3A_125 = arith.addf %dot_general3A_118, %add3A_124 : vector<5120x64xf32>
    %mul3A_126 = arith.mulf %logistic3A_62, %add3A_125 : vector<5120x64xf32>
    %add3A_127 = arith.addf %add3A_111, %mul3A_126 : vector<5120x64xf32>
    %tanh3A = math.tanh %add3A_127 : vector<5120x64xf32>
    %sub3A = arith.constant 1.000000e+00 : f32
    %sub3A_128 = vector.broadcast %sub3A : f32 to vector<5120x64xf32>
    %sub3A_129 = arith.subf %sub3A_128, %logistic3A_97 : vector<5120x64xf32>
    %mul3A_130 = arith.mulf %sub3A_129, %tanh3A : vector<5120x64xf32>
    %mul3A_131 = arith.mulf %logistic3A_97, %get3A_4 : vector<5120x64xf32>
    %add3A_132 = arith.addf %mul3A_130, %mul3A_131 : vector<5120x64xf32>
    %swap3A = arith.constant 0 : index
    %swap3A_133 = arith.constant 0 : index
    %swap3A_134 = vector.load %arg11[%swap3A, %swap3A_133] : memref<5120x64xf32, #tpu.memory_space<vmem>>, vector<5120x64xf32>
    tpu.vector_store %arg11[%swap3A, %swap3A_133], %add3A_132 {strides = array<i32>} : memref<5120x64xf32, #tpu.memory_space<vmem>>, vector<5120x64xf32>,
    return
  }
  func.func @transform_0(%arg0: i32) -> (i32, i32) {
    %mul3A = arith.constant 0 : i32
    %mul3A_0 = arith.muli %arg0, %mul3A : i32
    %c0_i32 = arith.constant 0 : i32
    return %arg0, %mul3A_0 : i32, i32
  }
  func.func @transform_1(%arg0: i32) -> (i32, i32) {
    %mul3A = arith.constant 0 : i32
    %mul3A_0 = arith.muli %arg0, %mul3A : i32
    %c0_i32 = arith.constant 0 : i32
    return %arg0, %mul3A_0 : i32, i32
  }
  func.func @transform_2(%arg0: i32) -> (i32, i32) {
    %mul3A = arith.constant 0 : i32
    %mul3A_0 = arith.muli %arg0, %mul3A : i32
    %c0_i32 = arith.constant 0 : i32
    return %arg0, %mul3A_0 : i32, i32
  }
  func.func @transform_3(%arg0: i32) -> (i32, i32, i32) {
    %jit3A = arith.constant 2 : i64
    %convert_element_type3A = arith.trunci %jit3A : i64 to i32
    %div3A = arith.divsi %arg0, %convert_element_type3A : i32
    %sign3A = arith.constant 0 : i32
    %sign3A_0 = arith.cmpi sgt, %arg0, %sign3A : i32
    %sign3A_1 = arith.extui %sign3A_0 : i1 to i32
    %sign3A_2 = arith.constant 0 : i32
    %sign3A_3 = arith.cmpi slt, %arg0, %sign3A_2 : i32
    %sign3A_4 = arith.extui %sign3A_3 : i1 to i32
    %sign3A_5 = arith.subi %sign3A_1, %sign3A_4 : i32
    %sign3A_6 = arith.constant 0 : i32
    %sign3A_7 = arith.cmpi sgt, %convert_element_type3A, %sign3A_6 : i32
    %sign3A_8 = arith.extui %sign3A_7 : i1 to i32
    %sign3A_9 = arith.constant 0 : i32
    %sign3A_10 = arith.cmpi slt, %convert_element_type3A, %sign3A_9 : i32
    %sign3A_11 = arith.extui %sign3A_10 : i1 to i32
    %sign3A_12 = arith.subi %sign3A_8, %sign3A_11 : i32
    %ne3A = arith.cmpi ne, %sign3A_5, %sign3A_12 : i32
    %rem3A = arith.remsi %arg0, %convert_element_type3A : i32
    %ne3A_13 = arith.constant 0 : i32
    %ne3A_14 = arith.cmpi ne, %rem3A, %ne3A_13 : i32
    %and3A = arith.andi %ne3A, %ne3A_14 : i1
    %sub3A = arith.constant 1 : i32
    %sub3A_15 = arith.subi %div3A, %sub3A : i32
    %select_n3A = arith.select %and3A, %sub3A_15, %div3A : i32
    %mul3A = arith.constant 0 : i32
    %mul3A_16 = arith.muli %arg0, %mul3A : i32
    %mul3A_17 = arith.constant 0 : i32
    %mul3A_18 = arith.muli %arg0, %mul3A_17 : i32
    %c0_i32 = arith.constant 0 : i32
    return %select_n3A, %mul3A_16, %mul3A_18 : i32, i32, i32
  }
  func.func @transform_4(%arg0: i32) -> (i32, i32, i32) {
    %jit3A = arith.constant 2 : i64
    %convert_element_type3A = arith.trunci %jit3A : i64 to i32
    %div3A = arith.divsi %arg0, %convert_element_type3A : i32
    %sign3A = arith.constant 0 : i32
    %sign3A_0 = arith.cmpi sgt, %arg0, %sign3A : i32
    %sign3A_1 = arith.extui %sign3A_0 : i1 to i32
    %sign3A_2 = arith.constant 0 : i32
    %sign3A_3 = arith.cmpi slt, %arg0, %sign3A_2 : i32
    %sign3A_4 = arith.extui %sign3A_3 : i1 to i32
    %sign3A_5 = arith.subi %sign3A_1, %sign3A_4 : i32
    %sign3A_6 = arith.constant 0 : i32
    %sign3A_7 = arith.cmpi sgt, %convert_element_type3A, %sign3A_6 : i32
    %sign3A_8 = arith.extui %sign3A_7 : i1 to i32
    %sign3A_9 = arith.constant 0 : i32
    %sign3A_10 = arith.cmpi slt, %convert_element_type3A, %sign3A_9 : i32
    %sign3A_11 = arith.extui %sign3A_10 : i1 to i32
    %sign3A_12 = arith.subi %sign3A_8, %sign3A_11 : i32
    %ne3A = arith.cmpi ne, %sign3A_5, %sign3A_12 : i32
    %rem3A = arith.remsi %arg0, %convert_element_type3A : i32
    %ne3A_13 = arith.constant 0 : i32
    %ne3A_14 = arith.cmpi ne, %rem3A, %ne3A_13 : i32
    %and3A = arith.andi %ne3A, %ne3A_14 : i1
    %sub3A = arith.constant 1 : i32
    %sub3A_15 = arith.subi %div3A, %sub3A : i32
    %select_n3A = arith.select %and3A, %sub3A_15, %div3A : i32
    %mul3A = arith.constant 0 : i32
    %mul3A_16 = arith.muli %arg0, %mul3A : i32
    %mul3A_17 = arith.constant 0 : i32
    %mul3A_18 = arith.muli %arg0, %mul3A_17 : i32
    %c0_i32 = arith.constant 0 : i32
    return %select_n3A, %mul3A_16, %mul3A_18 : i32, i32, i32
  }
  func.func @transform_5(%arg0: i32) -> (i32, i32, i32) {
    %jit3A = arith.constant 2 : i64
    %convert_element_type3A = arith.trunci %jit3A : i64 to i32
    %div3A = arith.divsi %arg0, %convert_element_type3A : i32
    %sign3A = arith.constant 0 : i32
    %sign3A_0 = arith.cmpi sgt, %arg0, %sign3A : i32
    %sign3A_1 = arith.extui %sign3A_0 : i1 to i32
    %sign3A_2 = arith.constant 0 : i32
    %sign3A_3 = arith.cmpi slt, %arg0, %sign3A_2 : i32
    %sign3A_4 = arith.extui %sign3A_3 : i1 to i32
    %sign3A_5 = arith.subi %sign3A_1, %sign3A_4 : i32
    %sign3A_6 = arith.constant 0 : i32
    %sign3A_7 = arith.cmpi sgt, %convert_element_type3A, %sign3A_6 : i32
    %sign3A_8 = arith.extui %sign3A_7 : i1 to i32
    %sign3A_9 = arith.constant 0 : i32
    %sign3A_10 = arith.cmpi slt, %convert_element_type3A, %sign3A_9 : i32
    %sign3A_11 = arith.extui %sign3A_10 : i1 to i32
    %sign3A_12 = arith.subi %sign3A_8, %sign3A_11 : i32
    %ne3A = arith.cmpi ne, %sign3A_5, %sign3A_12 : i32
    %rem3A = arith.remsi %arg0, %convert_element_type3A : i32
    %ne3A_13 = arith.constant 0 : i32
    %ne3A_14 = arith.cmpi ne, %rem3A, %ne3A_13 : i32
    %and3A = arith.andi %ne3A, %ne3A_14 : i1
    %sub3A = arith.constant 1 : i32
    %sub3A_15 = arith.subi %div3A, %sub3A : i32
    %select_n3A = arith.select %and3A, %sub3A_15, %div3A : i32
    %mul3A = arith.constant 0 : i32
    %mul3A_16 = arith.muli %arg0, %mul3A : i32
    %mul3A_17 = arith.constant 0 : i32
    %mul3A_18 = arith.muli %arg0, %mul3A_17 : i32
    %c0_i32 = arith.constant 0 : i32
    return %select_n3A, %mul3A_16, %mul3A_18 : i32, i32, i32
  }
  func.func @transform_6(%arg0: i32) -> (i32, i32, i32) {
    %jit3A = arith.constant 2 : i64
    %convert_element_type3A = arith.trunci %jit3A : i64 to i32
    %div3A = arith.divsi %arg0, %convert_element_type3A : i32
    %sign3A = arith.constant 0 : i32
    %sign3A_0 = arith.cmpi sgt, %arg0, %sign3A : i32
    %sign3A_1 = arith.extui %sign3A_0 : i1 to i32
    %sign3A_2 = arith.constant 0 : i32
    %sign3A_3 = arith.cmpi slt, %arg0, %sign3A_2 : i32
    %sign3A_4 = arith.extui %sign3A_3 : i1 to i32
    %sign3A_5 = arith.subi %sign3A_1, %sign3A_4 : i32
    %sign3A_6 = arith.constant 0 : i32
    %sign3A_7 = arith.cmpi sgt, %convert_element_type3A, %sign3A_6 : i32
    %sign3A_8 = arith.extui %sign3A_7 : i1 to i32
    %sign3A_9 = arith.constant 0 : i32
    %sign3A_10 = arith.cmpi slt, %convert_element_type3A, %sign3A_9 : i32
    %sign3A_11 = arith.extui %sign3A_10 : i1 to i32
    %sign3A_12 = arith.subi %sign3A_8, %sign3A_11 : i32
    %ne3A = arith.cmpi ne, %sign3A_5, %sign3A_12 : i32
    %rem3A = arith.remsi %arg0, %convert_element_type3A : i32
    %ne3A_13 = arith.constant 0 : i32
    %ne3A_14 = arith.cmpi ne, %rem3A, %ne3A_13 : i32
    %and3A = arith.andi %ne3A, %ne3A_14 : i1
    %sub3A = arith.constant 1 : i32
    %sub3A_15 = arith.subi %div3A, %sub3A : i32
    %select_n3A = arith.select %and3A, %sub3A_15, %div3A : i32
    %mul3A = arith.constant 0 : i32
    %mul3A_16 = arith.muli %arg0, %mul3A : i32
    %mul3A_17 = arith.constant 0 : i32
    %mul3A_18 = arith.muli %arg0, %mul3A_17 : i32
    %c0_i32 = arith.constant 0 : i32
    return %select_n3A, %mul3A_16, %mul3A_18 : i32, i32, i32
  }
  func.func @transform_7(%arg0: i32) -> (i32, i32, i32) {
    %jit3A = arith.constant 2 : i64
    %convert_element_type3A = arith.trunci %jit3A : i64 to i32
    %div3A = arith.divsi %arg0, %convert_element_type3A : i32
    %sign3A = arith.constant 0 : i32
    %sign3A_0 = arith.cmpi sgt, %arg0, %sign3A : i32
    %sign3A_1 = arith.extui %sign3A_0 : i1 to i32
    %sign3A_2 = arith.constant 0 : i32
    %sign3A_3 = arith.cmpi slt, %arg0, %sign3A_2 : i32
    %sign3A_4 = arith.extui %sign3A_3 : i1 to i32
    %sign3A_5 = arith.subi %sign3A_1, %sign3A_4 : i32
    %sign3A_6 = arith.constant 0 : i32
    %sign3A_7 = arith.cmpi sgt, %convert_element_type3A, %sign3A_6 : i32
    %sign3A_8 = arith.extui %sign3A_7 : i1 to i32
    %sign3A_9 = arith.constant 0 : i32
    %sign3A_10 = arith.cmpi slt, %convert_element_type3A, %sign3A_9 : i32
    %sign3A_11 = arith.extui %sign3A_10 : i1 to i32
    %sign3A_12 = arith.subi %sign3A_8, %sign3A_11 : i32
    %ne3A = arith.cmpi ne, %sign3A_5, %sign3A_12 : i32
    %rem3A = arith.remsi %arg0, %convert_element_type3A : i32
    %ne3A_13 = arith.constant 0 : i32
    %ne3A_14 = arith.cmpi ne, %rem3A, %ne3A_13 : i32
    %and3A = arith.andi %ne3A, %ne3A_14 : i1
    %sub3A = arith.constant 1 : i32
    %sub3A_15 = arith.subi %div3A, %sub3A : i32
    %select_n3A = arith.select %and3A, %sub3A_15, %div3A : i32
    %mul3A = arith.constant 0 : i32
    %mul3A_16 = arith.muli %arg0, %mul3A : i32
    %mul3A_17 = arith.constant 0 : i32
    %mul3A_18 = arith.muli %arg0, %mul3A_17 : i32
    %c0_i32 = arith.constant 0 : i32
    return %select_n3A, %mul3A_16, %mul3A_18 : i32, i32, i32
  }
  func.func @transform_8(%arg0: i32) -> (i32, i32, i32) {
    %jit3A = arith.constant 2 : i64
    %convert_element_type3A = arith.trunci %jit3A : i64 to i32
    %div3A = arith.divsi %arg0, %convert_element_type3A : i32
    %sign3A = arith.constant 0 : i32
    %sign3A_0 = arith.cmpi sgt, %arg0, %sign3A : i32
    %sign3A_1 = arith.extui %sign3A_0 : i1 to i32
    %sign3A_2 = arith.constant 0 : i32
    %sign3A_3 = arith.cmpi slt, %arg0, %sign3A_2 : i32
    %sign3A_4 = arith.extui %sign3A_3 : i1 to i32
    %sign3A_5 = arith.subi %sign3A_1, %sign3A_4 : i32
    %sign3A_6 = arith.constant 0 : i32
    %sign3A_7 = arith.cmpi sgt, %convert_element_type3A, %sign3A_6 : i32
    %sign3A_8 = arith.extui %sign3A_7 : i1 to i32
    %sign3A_9 = arith.constant 0 : i32
    %sign3A_10 = arith.cmpi slt, %convert_element_type3A, %sign3A_9 : i32
    %sign3A_11 = arith.extui %sign3A_10 : i1 to i32
    %sign3A_12 = arith.subi %sign3A_8, %sign3A_11 : i32
    %ne3A = arith.cmpi ne, %sign3A_5, %sign3A_12 : i32
    %rem3A = arith.remsi %arg0, %convert_element_type3A : i32
    %ne3A_13 = arith.constant 0 : i32
    %ne3A_14 = arith.cmpi ne, %rem3A, %ne3A_13 : i32
    %and3A = arith.andi %ne3A, %ne3A_14 : i1
    %sub3A = arith.constant 1 : i32
    %sub3A_15 = arith.subi %div3A, %sub3A : i32
    %select_n3A = arith.select %and3A, %sub3A_15, %div3A : i32
    %mul3A = arith.constant 0 : i32
    %mul3A_16 = arith.muli %arg0, %mul3A : i32
    %mul3A_17 = arith.constant 0 : i32
    %mul3A_18 = arith.muli %arg0, %mul3A_17 : i32
    %c0_i32 = arith.constant 0 : i32
    return %select_n3A, %mul3A_16, %mul3A_18 : i32, i32, i32
  }
  func.func @transform_9(%arg0: i32) -> (i32, i32, i32) {
    %jit3A = arith.constant 2 : i64
    %convert_element_type3A = arith.trunci %jit3A : i64 to i32
    %div3A = arith.divsi %arg0, %convert_element_type3A : i32
    %sign3A = arith.constant 0 : i32
    %sign3A_0 = arith.cmpi sgt, %arg0, %sign3A : i32
    %sign3A_1 = arith.extui %sign3A_0 : i1 to i32
    %sign3A_2 = arith.constant 0 : i32
    %sign3A_3 = arith.cmpi slt, %arg0, %sign3A_2 : i32
    %sign3A_4 = arith.extui %sign3A_3 : i1 to i32
    %sign3A_5 = arith.subi %sign3A_1, %sign3A_4 : i32
    %sign3A_6 = arith.constant 0 : i32
    %sign3A_7 = arith.cmpi sgt, %convert_element_type3A, %sign3A_6 : i32
    %sign3A_8 = arith.extui %sign3A_7 : i1 to i32
    %sign3A_9 = arith.constant 0 : i32
    %sign3A_10 = arith.cmpi slt, %convert_element_type3A, %sign3A_9 : i32
    %sign3A_11 = arith.extui %sign3A_10 : i1 to i32
    %sign3A_12 = arith.subi %sign3A_8, %sign3A_11 : i32
    %ne3A = arith.cmpi ne, %sign3A_5, %sign3A_12 : i32
    %rem3A = arith.remsi %arg0, %convert_element_type3A : i32
    %ne3A_13 = arith.constant 0 : i32
    %ne3A_14 = arith.cmpi ne, %rem3A, %ne3A_13 : i32
    %and3A = arith.andi %ne3A, %ne3A_14 : i1
    %sub3A = arith.constant 1 : i32
    %sub3A_15 = arith.subi %div3A, %sub3A : i32
    %select_n3A = arith.select %and3A, %sub3A_15, %div3A : i32
    %mul3A = arith.constant 0 : i32
    %mul3A_16 = arith.muli %arg0, %mul3A : i32
    %mul3A_17 = arith.constant 0 : i32
    %mul3A_18 = arith.muli %arg0, %mul3A_17 : i32
    %c0_i32 = arith.constant 0 : i32
    return %select_n3A, %mul3A_16, %mul3A_18 : i32, i32, i32
  }
  func.func @transform_10(%arg0: i32) -> (i32, i32) {
    %mul3A = arith.constant 0 : i32
    %mul3A_0 = arith.muli %arg0, %mul3A : i32
    %c0_i32 = arith.constant 0 : i32
    return %arg0, %mul3A_0 : i32, i32
  }
}

</mosaic_0001>

<sc_bundles>
// kernel: kernel.6.cloned.1.call-start
scs
__scs_entry_jumppad:
0x0: {  	(pc) =	sbr.rel $0x88, $3  }
0x1: {  	(tag) =	ssettag $0x0;
	lr =	simm.s32 $0x1  }
0x2: {  	[smem:$0x3F93] =	sst lr;
	_ =	strace $0xD0000000  }
0x3: {  	_ = 	snop  }
0x4: {  	_ = 	snop  }
0x5: {  	_ = 	snop  }
0x6: {  	_ = 	snop  }
0x7: {  	_ = 	snop  }
__scs_overlays_trampoline_lowered:
0x8: {  	[smem:$0x3FA2] =	sst s0  }
0x9: {  	[smem:$0x3FA3] =	sst s1  }
0xa: {  	[smem:$0x3FA4] =	sst s2  }
0xb: {  	[smem:$0x3FA5] =	sst s3  }
0xc: {  	[smem:$0x3FA6] =	sst s4  }
0xd: {  	[smem:$0x3FA7] =	sst s5  }
0xe: {  	[smem:$0x3FA8] =	sst s6  }
0xf: {  	[smem:$0x3FA9] =	sst s7  }
0x10: {  	[smem:$0x3FAA] =	sst s8  }
0x11: {  	[smem:$0x3FAB] =	sst s9;
	s0 =	simm.s32 @!p0 $0x0  }
0x12: {  	s1 =	sld [smem:$0x3F91];
	s0 =	simm.s32 @p0 $0x1  }
0x13: {  	[smem:$0x3FAC] =	sst s0;
	s0 =	simm.s32 @!p1 $0x0  }
0x14: {  	s2 =	sld [smem:$0x3F90];
	s0 =	simm.s32 @p1 $0x1  }
0x15: {  	[smem:$0x3FAD] =	sst s0;
	s0 =	simm.s32 @!p2 $0x0  }
0x16: {  	s3 =	sld [smem:$0x3FDB];
	s0 =	simm.s32 @p2 $0x1  }
0x17: {  	s4 =	simm.s32 $0x1BF5;
	[smem:$0x3FAF] =	sst s0  }
0x18: {  	s0 =	sld [smem:$0x3F92];
	_ =	swait.ge [sflag:s4], $0x0  }
0x19: {  	s7 =	sld [smem:$0x3F93]  }
0x1a: {  	s8 =	sadd.s32 $0xFFFFE003, lr  }
0x1b: {  	s9 =	sadd.s32 $0xFFFFFEF7, lr;
	s5 =	simm.s32 $0xFFFFFFFF;
	p2 =	slt.u32 s8, $0xFFFFF086  }
0x1c: {  	p1 =	slt.u32 s9, $0xF7A;
	s5 =	simm.s32 @!p2 $0x0  }
0x1d: {  	s5 =	simm.s32 @p1 $0x1;
	p0 =	seq.s32 s7, s2  }
0x1e: {  	s7 =	smul.u32 @!p0 $0xF7A, s2;
	p2 =	seq.s32 @!p0 s5, $0x0  }
0x1f: {  	s9 =	smul.u32 $0xF7A, s1;
	s8 =	simm.s32 @!p0 $0x1BF5;
	p2 =	por !p2, p0  }
0x20: {  	[sflag:s8] =	ssyncset.s32 @!p0 $0xFFFFF086;
	s6 =	sadd.s32 @!p0 s3, s7;
	s7 =	simm.s32 @!p0 $0x108  }
0x21: {  	s3 =	sadd.s32 s3, s9;
	s6 =	sadd.s32 @!p0 $0x88, s6;
	s7 =	simm.s32 @p2 $0x1082  }
0x22: {  	[simem:s7], [sflag:s8] =	dma.local @!p0 [hbm:s6], $0xF7A  }
0x23: {  	s9 =	sor.u32 $0xD0000000, s2;
	s6 =	simm.s32 $0x108;
	_ =	swait.ge @!p0 [sflag:s8], $0x0  }
0x24: {  	s3 =	sadd.s32 $0x88, s3;
	s6 =	simm.s32 @!p1 $0x1082;
	[sflag:s4] =	ssyncset.s32 $0xFFFFF086  }
0x25: {  	[simem:s6], [sflag:s4] =	dma.local [hbm:s3], $0xF7A  }
0x26: {  	[smem:$0x3F93] =	sst s1;
	(tag) =	ssettag s2;
	_ =	strace s9  }
0x27: {  	s1 =	sld [smem:$0x3FA3]  }
0x28: {  	s2 =	sld [smem:$0x3FA4]  }
0x29: {  	s4 =	sld [smem:$0x3FA6]  }
0x2a: {  	p0 =	seq.s32 s5, $0x0;
	s5 =	sld [smem:$0x3FA7]  }
0x2b: {  	s6 =	sld [smem:$0x3FA8]  }
0x2c: {  	s7 =	sld [smem:$0x3FA9]  }
0x2d: {  	s3 =	simm.s32 $0x108;
	s8 =	sld [smem:$0x3FAA]  }
0x2e: {  	s3 =	simm.s32 @!p0 $0x1082;
	s9 =	sld [smem:$0x3FAB]  }
0x2f: {  	lr =	sadd.s32 s0, s3;
	s0 =	sld [smem:$0x3FA2]  }
0x30: {  	s3 =	sld [smem:$0x3FA5]  }
0x31: {  	[smem:$0x3FAE] =	sst s10  }
0x32: {  	s10 =	sld [smem:$0x3FAC];
	_ =	sdelay $0x3  }
0x33: {  	p0 =	seq.s32 s10, $0x1;
	s10 =	sld [smem:$0x3FAE];
	_ =	sdelay $0x3  }
0x34: {  	[smem:$0x3FAE] =	sst s10  }
0x35: {  	s10 =	sld [smem:$0x3FAD];
	_ =	sdelay $0x3  }
0x36: {  	p1 =	seq.s32 s10, $0x1;
	s10 =	sld [smem:$0x3FAE];
	_ =	sdelay $0x3  }
0x37: {  	[smem:$0x3FAE] =	sst s10  }
0x38: {  	s10 =	sld [smem:$0x3FAF]  }
0x39: {  	_ = 	snop;
	(pc) =	sbr.ind lr, $3  }
0x3a: {  	_ = 	snop  }
0x3b: {  	_ = 	snop  }
0x3c: {  	p2 =	seq.s32 s10, $0x1;
	s10 =	sld [smem:$0x3FAE]  }
0x3d: {  	_ =	shalt  }
0x3e: {  	_ =	shalt  }
0x3f: {  	_ =	shalt  }
0x40: {  	_ =	shalt  }
0x41: {  	_ =	shalt  }
0x42: {  	_ =	shalt  }
0x43: {  	_ =	shalt  }
0x44: {  	_ =	shalt  }
0x45: {  	_ =	shalt  }
0x46: {  	_ =	shalt  }
0x47: {  	_ =	shalt  }
0x48: {  	_ =	shalt  }
0x49: {  	_ =	shalt  }
0x4a: {  	_ =	shalt  }
0x4b: {  	_ =	shalt  }
0x4c: {  	_ =	shalt  }
0x4d: {  	_ =	shalt  }
0x4e: {  	_ =	shalt  }
0x4f: {  	_ =	shalt  }
0x50: {  	_ =	shalt  }
0x51: {  	_ =	shalt  }
0x52: {  	_ =	shalt  }
0x53: {  	_ =	shalt  }
0x54: {  	_ =	shalt  }
0x55: {  	_ =	shalt  }
0x56: {  	_ =	shalt  }
0x57: {  	_ =	shalt  }
0x58: {  	_ =	shalt  }
0x59: {  	_ =	shalt  }
0x5a: {  	_ =	shalt  }
0x5b: {  	_ =	shalt  }
0x5c: {  	_ =	shalt  }
0x5d: {  	_ =	shalt  }
0x5e: {  	_ =	shalt  }
0x5f: {  	_ =	shalt  }
0x60: {  	_ =	shalt  }
0x61: {  	_ =	shalt  }
0x62: {  	_ =	shalt  }
0x63: {  	_ =	shalt  }
0x64: {  	_ =	shalt  }
0x65: {  	_ =	shalt  }
0x66: {  	_ =	shalt  }
0x67: {  	_ =	shalt  }
0x68: {  	_ =	shalt  }
0x69: {  	_ =	shalt  }
0x6a: {  	_ =	shalt  }
0x6b: {  	_ =	shalt  }
0x6c: {  	_ =	shalt  }
0x6d: {  	_ =	shalt  }
0x6e: {  	_ =	shalt  }
0x6f: {  	_ =	shalt  }
0x70: {  	_ =	shalt  }
0x71: {  	_ =	shalt  }
0x72: {  	_ =	shalt  }
0x73: {  	_ =	shalt  }
0x74: {  	_ =	shalt  }
0x75: {  	_ =	shalt  }
0x76: {  	_ =	shalt  }
0x77: {  	_ =	shalt  }
0x78: {  	_ =	shalt  }
0x79: {  	_ =	shalt  }
0x7a: {  	_ =	shalt  }
0x7b: {  	_ =	shalt  }
0x7c: {  	_ =	shalt  }
0x7d: {  	_ =	shalt  }
0x7e: {  	_ =	shalt  }
0x7f: {  	_ =	shalt  }
0x80: {  	_ =	shalt  }
0x81: {  	_ =	shalt  }
0x82: {  	_ =	shalt  }
0x83: {  	_ =	shalt  }
0x84: {  	_ =	shalt  }
0x85: {  	_ =	shalt  }
0x86: {  	_ =	shalt  }
0x87: {  	_ =	shalt  }
.Lfunc_end0:
.L_simem_size_0:
called_computation_lowered:
.L_overlay_start_0:
0x88: {  	s2 =	sld [smem:$0x3FD9]  }
0x89: {  	s3 =	sld [smem:$0x3FFE];
	_ =	sdelay $0x1  }
0x8a: {  	s1 =	srdreg.scid  }
0x8b: {  	s0 =	sand.u32 $0x1, s1  }
0x8c: {  	s17 =	sshll.u32 s0, $0xA;
	s2 =	sadd.s32 s3, s2  }
0x8d: {  	s2 =	sadd.s32 s2, s17  }
0x8e: {  	[smem:$0x3FBA] =	sst s2  }
0x8f: {  	_ = 	snop  }
0x90: {  	s2 =	sld [smem:$0x3FD0];
	(tm) =	ssettm $0x1  }
0x91: {  	s18 =	sld [smem:$0x3FFB];
	_ =	sdelay $0x3  }
0x92: {  	_ =	strace s18  }
0x93: {  	s3 =	sld [smem:$0x3FFC];
	_ =	sdelay $0x3  }
0x94: {  	_ =	strace s3  }
0x95: {  	s3 =	sld [smem:$0x3FFD];
	_ =	sdelay $0x3  }
0x96: {  	_ =	strace s3  }
0x97: {  	_ =	strace $0x8FFFFFFF  }
0x98: {  	s19 =	sld [smem:$0x3FDB];
	_ =	sdelay $0x1  }
0x99: {  	s4 =	simm.s32 $_scs_section_size  }
0x9a: {  	s5 =	simm.s32 $_size__tile_overlayer_lowered;
	s6 =	simm.s32 $_tile_overlayer_lowered  }
0x9b: {  	s22 =	simm.s32 $0x1BFF;
	s21 =	sshll.u32 s6, $0x1;
	s3 =	sadd.s32 s4, s19  }
0x9c: {  	s7 =	simm.s32 $0x0;
	s20 =	sshll.u32 s5, $0x1;
	s5 =	sadd.s32 s21, s3  }
0x9d: {  	[timem:s7], [sflag:s22] =	dma.local [hbm:s5], s20  }
0x9e: {  	_ =	swait.ge [sflag:s22], s20  }
0x9f: {  	s4 =	ssub.s32 $0x0, s20;
	[sflag:s22] =	ssyncset.done $0x0  }
0xa0: {  	[sflag:s22] =	ssyncadd.s32 s4;
	_ =	sdelay $0x1  }
0xa1: {  	s23 =	simm.s32 $0x1B8B  }
0xa2: {  	_ =	swait.ge [sflag:s23], $0x1  }
0xa3: {  	[sflag:s23] =	ssyncset.done $0x0  }
0xa4: {  	s25 =	simm.s32 $0x1B8E;
	s24 =	sld [smem:$0x3FFE];
	[sflag:s23] =	ssyncadd.s32 $0xFFFFFFFF  }
0xa5: {  	s26 =	simm.s32 $execute0_lowered;
	[smem:$0x3FD2] =	sst s25  }
0xa6: {  	s5 =	sshll.u32 s26, $0x1;
	_ =	strace $0x80000046;
	[dreg:$0x1] =	wrdreg $0xFFFFFFFF  }
0xa7: {  	s28 =	simm.s32 $_size_execute0_lowered;
	s3 =	sadd.s32 s3, s5;
	[dreg:$0x0] =	wrdreg $0x0  }
0xa8: {  	s5 =	sshll.u32 s28, $0x1;
	[dreg:$0x2] =	wrdreg s3  }
0xa9: {  	[dreg:$0x3] =	wrdreg s5  }
0xaa: {  	[dreg:$0x4] =	wrdreg $0xC0  }
0xab: {  	_ =	task [dreg:s7], $0x5FFFF  }
0xac: {  	[dreg:$0x1] =	wrdreg $0xFFFFFFFF  }
0xad: {  	[dreg:$0x0] =	wrdreg $0x60  }
0xae: {  	[dreg:$0x2] =	wrdreg s24  }
0xaf: {  	[dreg:$0x3] =	wrdreg s2  }
0xb0: {  	[dreg:$0x4] =	wrdreg $0x0  }
0xb1: {  	[dreg:$0x5] =	wrdreg $0x1C0000  }
0xb2: {  	[dreg:$0x6] =	wrdreg $0x9  }
0xb3: {  	_ =	task.clear_ibuf [dreg:s7], $0x7FFFF;
	_ =	strace $0x90000046  }
0xb4: {  	s29 =	simm.s32 $0x9;
	_ =	strace $0x80000048  }
0xb5: {  	_ =	swait.ge [sflag:s29], $0x1  }
0xb6: {  	[sflag:s29] =	ssyncadd.s32 $0xFFFFFFFF  }
0xb7: {  	_ =	strace $0x90000048  }
0xb8: {  	_ =	sfence  }
0xb9: {  	s30 =	sld [smem:$0x0];
	_ =	sdelay $0x2  }
0xba: {  	s31 =	sshll.u32 s1, $0xD;
	s1 =	sshrl.u32 s1, $0x2  }
0xbb: {  	s3 =	sand.u32 $0x4000, s31;
	s1 =	sadd.s32 s1, s30  }
0xbc: {  	s0 =	sor.u32 s3, s0;
	s1 =	sshll.u32 s1, $0x11  }
0xbd: {  	s0 =	sor.u32 s1, s0  }
0xbe: {  	s0 =	sadd.s32 $0x8F2B, s0  }
0xbf: {  	[sflag:s0] =	ssyncadd.remote.s32 $0x1  }
0xc0: {  	_ =	sfence.sel $0xFFFF  }
0xc1: {  	[dreg:$0x0] =	wrdreg $0xFFFFFFFF;
	(pc) =	sbr.abs _section_cstart, $3  }
0xc2: {  	[dreg:$0x1] =	wrdreg $0xFFFFFFFF  }
0xc3: {  	_ =	task.clear_ibuf [dreg:s7], $0x2FFFF;
	_ =	strace $0x9FFFFFFF  }
0xc4: {  	(tm) =	ssettm $0x7FFFFFFF  }
0xc5: {  	_ =	shalt  }
tec
execute0_lowered:
.L_overlay_start_1:
0x0: {  	(tag) =	ssettag $0x1  }
0x1: {  	s0 =	rddreg [dreg:$0x0]  }
0x2: {  	s1 =	rddreg [dreg:$0x1]  }
0x3: {  	s3 =	srdreg.scid;
	s2 =	rddreg [dreg:$0x2]  }
0x4: {  	s16 =	stileid.u32;
	s4 =	simm.s32 $0x0;
	s17 =	simm.s32 $0xA000  }
0x5: {  	s19 =	simm.s32 $0x100;
	s20 =	simm.s32 $0x14000;
	s22 =	simm.s32 $0x18000  }
0x6: {  	s29 =	simm.s32 $0x13D00;
	s30 =	simm.s32 $0xEF00;
	s6 =	smul.u32 $0x50, s16  }
0x7: {  	s8 =	sand.u32 $0x1, s3;
	s3 =	rddreg [dreg:$0x3];
	s9 =	smul.u32 $0x280, s16  }
0x8: {  	s31 =	simm.s32 $0x13E00;
	[smem:$0x7FF] =	sst s4;
	s14 =	smul.u32 $0x28000, s16  }
0x9: {  	s7 =	sadd.s32 $0x8F200, s0;
	s26 =	sshll.u32 s16, $0x6;
	s5 =	smul.u32 $0x500, s8  }
0xa: {  	s23 =	smul.u32 $0x2800, s8;
	_ =	strace $0x80000047;
	s8 =	ssub.s32 $0x2, s8  }
0xb: {  	s24 =	sshrl.u32 s8, $0x1;
	s25 =	sshrl.u32 s14, $0x2;
	s28 =	sadd.s32 s9, s3  }
0xc: {  	s5 =	sadd.s32 s6, s5;
	s12 =	sadd.s32 s9, s23;
	s6 =	sadd.s32 $0x8DE00, s0  }
0xd: {  	s15 =	ssub.s32 s8, s24;
	s14 =	sadd.s32 s25, s2;
	s8 =	sor.u32 $0x1C03, s26  }
0xe: {  	s16 =	sshrl.u32 s28, $0x3;
	s23 =	simm.s32 $0x1;
	s24 =	simm.s32 $0x1C280  }
0xf: {  	s25 =	simm.s32 $0x2;
	s26 =	simm.s32 $0x13C00;
	s10 =	sshll.u32 s5, $0x5  }
0x10: {  	s5 =	sadd.s32 $0x65E00, s0;
	s13 =	sshll.u32 s12, $0x3;
	s12 =	sshrl.u32 s12, $0x3  }
0x11: {  	s14 =	sshrl.u32 s14, $0x3;
	s11 =	sadd.s32 s10, s0;
	s13 =	sadd.s32 s13, s0  }
0x12: {  	s0 =	sadd.s32 s12, s0;
	s9 =	sadd.s32 s1, s10;
	s1 =	simm.s32 $0x13F00  }
0x13: {  	s10 =	sadd.s32 $0x1E00, s11;
	s11 =	sadd.s32 $0x8FE00, s13;
	s12 =	sadd.s32 $0x8F400, s0  }
0x14: {  	v0 =	vimm.f32 $1.000000000e+00;
	s13 =	smax.u32 s15, $0x1;
	s15 =	simm.s32 $0x3;
	s0 =	simm.s32 $0x0  }
.LBB2_1:
0x15: {  	[spmem:s14], [sflag:s8] =	dma.local [hbm:s6], $0x1400  }
0x16: {  	_ =	swait.ge [sflag:s15], $0x1400  }
0x17: {  	[sflag:s15] =	ssyncset.done $0x0  }
0x18: {  	[sflag:s15] =	ssyncadd.s32 $0xFFFFEC00  }
0x19: {  	[spmem:s16], [sflag:s8] =	dma.local [hbm:s7], $0x50  }
0x1a: {  	_ =	swait.ge [sflag:s15], $0x50  }
0x1b: {  	[sflag:s15] =	ssyncset.done $0x0  }
0x1c: {  	[sflag:s15] =	ssyncadd.s32 $0xFFFFFFB0  }
0x1d: {  	[tilespmem:$0x1C280] =	vst v0  }
0x1e: {  	[tilespmem:$0x1C290] =	vst v0  }
0x1f: {  	[tilespmem:$0x1C2A0] =	vst v0  }
0x20: {  	[tilespmem:$0x1C2B0] =	vst v0  }
0x21: {  	[tilespmem:$0x1C2C0] =	vst v0  }
0x22: {  	[tilespmem:$0x1C2D0] =	vst v0  }
0x23: {  	[tilespmem:$0x1C2E0] =	vst v0  }
0x24: {  	[tilespmem:$0x1C2F0] =	vst v0  }
0x25: {  	[tilespmem:$0x1C300] =	vst v0  }
0x26: {  	[tilespmem:$0x1C310] =	vst v0  }
0x27: {  	[tilespmem:$0x1C320] =	vst v0  }
0x28: {  	[tilespmem:$0x1C330] =	vst v0  }
0x29: {  	[tilespmem:$0x1C340] =	vst v0  }
0x2a: {  	[tilespmem:$0x1C350] =	vst v0  }
0x2b: {  	[tilespmem:$0x1C360] =	vst v0  }
0x2c: {  	[tilespmem:$0x1C370] =	vst v0  }
0x2d: {  	[tilespmem:s17], [sflag:$0x3] =	stream.linear.gather [hbm4b:s9+s4], $0x5000, $0x38;
	[tilespmem:$0x1C380] =	vst v63  }
0x2e: {  	_ =	swait.ge [sflag:s15], $0x5000  }
0x2f: {  	[sflag:s15] =	ssyncset.done $0x0  }
0x30: {  	s18 =	simm.s32 $0xF000;
	[sflag:s15] =	ssyncadd.s32 $0xFFFFB000  }
0x31: {  	[tilespmem:s18], [sflag:$0x3] =	stream.linear.gather [hbm4b:s10+s4], $0x5000, $0x38;
	[tilespmem:$0x1C380] =	vst v63  }
0x32: {  	_ =	swait.ge [sflag:s15], $0x5000  }
0x33: {  	[sflag:s15] =	ssyncset.done $0x0  }
0x34: {  	[sflag:s15] =	ssyncadd.s32 $0xFFFFB000  }
0x35: {  	[bflag:$0x0] =	sbarrier.arrive $0xFFFF  }
0x36: {  	[tilespmem:s20], [sflag:$0x1] =	stream.indirect.gather [hbm4b:s5+s19], $0x40, s17, s19, $0xb8;
	[tilespmem:$0x1C380] =	vst v63  }
0x37: {  	s21 =	simm.s32 $0xA100  }
0x38: {  	[tilespmem:s22], [sflag:$0x2] =	stream.indirect.gather [hbm4b:s5+s19], $0x40, s21, s19, $0xb8;
	[tilespmem:$0x1C380] =	vst v63  }
0x39: {  	_ =	swait.ge [sflag:s23], $0x4000  }
0x3a: {  	[sflag:s23] =	ssyncset.done $0x0  }
0x3b: {  	s28 =	simm.s32 $0xF000;
	[sflag:s23] =	ssyncadd.s32 $0xFFFFC000  }
0x3c: {  	[spmem:s2] =	stream.indirect.scatter.add.f32 [tilespmem:s20], [sflag:$0x3], $0x40, s28, s19, $0xb8;
	[tilespmem:$0x1C380] =	vst v63  }
0x3d: {  	_ =	swait.ge [sflag:s15], $0x4000  }
0x3e: {  	[sflag:s15] =	ssyncset.done $0x0  }
0x3f: {  	[sflag:s15] =	ssyncadd.s32 $0xFFFFC000  }
0x40: {  	[spmem:s3] =	stream.indirect.scatter.add.f32 [tilespmem:s24], [sflag:$0x3], $0x1, s28, s19, $0xb8;
	[tilespmem:$0x1C380] =	vst v63  }
0x41: {  	_ =	swait.ge [sflag:s15], $0x100  }
0x42: {  	[sflag:s15] =	ssyncset.done $0x0  }
0x43: {  	s21 =	simm.s32 $0xA200;
	[sflag:s15] =	ssyncadd.s32 $0xFFFFFF00  }
0x44: {  	[tilespmem:s20], [sflag:$0x1] =	stream.indirect.gather [hbm4b:s5+s19], $0x40, s21, s19, $0xb8;
	[tilespmem:$0x1C380] =	vst v63  }
0x45: {  	_ =	swait.ge [sflag:s25], $0x4000  }
0x46: {  	[sflag:s25] =	ssyncset.done $0x0  }
0x47: {  	s28 =	simm.s32 $0xF100;
	[sflag:s25] =	ssyncadd.s32 $0xFFFFC000  }
0x48: {  	[spmem:s2] =	stream.indirect.scatter.add.f32 [tilespmem:s22], [sflag:$0x3], $0x40, s28, s19, $0xb8;
	[tilespmem:$0x1C380] =	vst v63  }
0x49: {  	_ =	swait.ge [sflag:s15], $0x4000  }
0x4a: {  	[sflag:s15] =	ssyncset.done $0x0  }
0x4b: {  	[sflag:s15] =	ssyncadd.s32 $0xFFFFC000  }
0x4c: {  	[spmem:s3] =	stream.indirect.scatter.add.f32 [tilespmem:s24], [sflag:$0x3], $0x1, s28, s19, $0xb8;
	[tilespmem:$0x1C380] =	vst v63  }
0x4d: {  	_ =	swait.ge [sflag:s15], $0x100  }
0x4e: {  	[sflag:s15] =	ssyncset.done $0x0  }
0x4f: {  	s18 =	simm.s32 $0x800;
	s21 =	simm.s32 $0xA300;
	[sflag:s15] =	ssyncadd.s32 $0xFFFFFF00  }
.LBB2_2:
0x50: {  	[tilespmem:s22], [sflag:$0x2] =	stream.indirect.gather [hbm4b:s5+s19], $0x40, s21, s19, $0xb8;
	[tilespmem:$0x1C380] =	vst v63  }
0x51: {  	s21 =	smov.u32 s18  }
0x52: {  	p0 =	sne.s32 s18, $0x12800;
	s18 =	sadd.s32 $0x800, s18;
	_ =	swait.ge [sflag:s23], $0x4000  }
0x53: {  	s21 =	sshra.s32 s21, $0x2;
	[sflag:s23] =	ssyncset.done $0x0  }
0x54: {  	s28 =	sadd.s32 $0xF000, s21;
	[sflag:s23] =	ssyncadd.s32 $0xFFFFC000  }
0x55: {  	[spmem:s2] =	stream.indirect.scatter.add.f32 [tilespmem:s20], [sflag:$0x3], $0x40, s28, s19, $0xb8;
	[tilespmem:$0x1C380] =	vst v63  }
0x56: {  	_ =	swait.ge [sflag:s15], $0x4000  }
0x57: {  	[sflag:s15] =	ssyncset.done $0x0  }
0x58: {  	[sflag:s15] =	ssyncadd.s32 $0xFFFFC000  }
0x59: {  	[spmem:s3] =	stream.indirect.scatter.add.f32 [tilespmem:s24], [sflag:$0x3], $0x1, s28, s19, $0xb8;
	[tilespmem:$0x1C380] =	vst v63  }
0x5a: {  	_ =	swait.ge [sflag:s15], $0x100  }
0x5b: {  	[sflag:s15] =	ssyncset.done $0x0  }
0x5c: {  	s28 =	sadd.s32 $0xA200, s21;
	[sflag:s15] =	ssyncadd.s32 $0xFFFFFF00  }
0x5d: {  	[tilespmem:s20], [sflag:$0x1] =	stream.indirect.gather [hbm4b:s5+s19], $0x40, s28, s19, $0xb8;
	[tilespmem:$0x1C380] =	vst v63  }
0x5e: {  	_ =	swait.ge [sflag:s25], $0x4000  }
0x5f: {  	[sflag:s25] =	ssyncset.done $0x0  }
0x60: {  	s28 =	sadd.s32 $0xF100, s21;
	[sflag:s25] =	ssyncadd.s32 $0xFFFFC000  }
0x61: {  	[spmem:s2] =	stream.indirect.scatter.add.f32 [tilespmem:s22], [sflag:$0x3], $0x40, s28, s19, $0xb8;
	[tilespmem:$0x1C380] =	vst v63  }
0x62: {  	_ =	swait.ge [sflag:s15], $0x4000  }
0x63: {  	[sflag:s15] =	ssyncset.done $0x0  }
.Ltmp0:
0x64: {  	[sflag:s15] =	ssyncadd.s32 $0xFFFFC000;
	(pc) =	sbr.rel @p0 .LBB2_2-.Ltmp0, $4  }
0x65: {  	[spmem:s3] =	stream.indirect.scatter.add.f32 [tilespmem:s24], [sflag:$0x3], $0x1, s28, s19, $0xb8;
	[tilespmem:$0x1C380] =	vst v63  }
0x66: {  	_ =	swait.ge [sflag:s15], $0x100  }
0x67: {  	[sflag:s15] =	ssyncset.done $0x0  }
0x68: {  	s21 =	sadd.s32 $0xA300, s21;
	[sflag:s15] =	ssyncadd.s32 $0xFFFFFF00  }
0x69: {  	[tilespmem:s22], [sflag:$0x2] =	stream.indirect.gather [hbm4b:s5+s19], $0x40, s21, s19, $0xb8;
	[tilespmem:$0x1C380] =	vst v63  }
0x6a: {  	_ =	swait.ge [sflag:s23], $0x4000  }
0x6b: {  	[sflag:s23] =	ssyncset.done $0x0  }
0x6c: {  	[sflag:s23] =	ssyncadd.s32 $0xFFFFC000  }
0x6d: {  	[spmem:s2] =	stream.indirect.scatter.add.f32 [tilespmem:s20], [sflag:$0x3], $0x40, s26, s19, $0xb8;
	[tilespmem:$0x1C380] =	vst v63  }
0x6e: {  	_ =	swait.ge [sflag:s15], $0x4000  }
0x6f: {  	[sflag:s15] =	ssyncset.done $0x0  }
0x70: {  	[sflag:s15] =	ssyncadd.s32 $0xFFFFC000  }
0x71: {  	[spmem:s3] =	stream.indirect.scatter.add.f32 [tilespmem:s24], [sflag:$0x3], $0x1, s26, s19, $0xb8;
	[tilespmem:$0x1C380] =	vst v63  }
0x72: {  	_ =	swait.ge [sflag:s15], $0x100  }
0x73: {  	[sflag:s15] =	ssyncset.done $0x0  }
0x74: {  	s18 =	simm.s32 $0xEE00;
	[sflag:s15] =	ssyncadd.s32 $0xFFFFFF00  }
0x75: {  	[tilespmem:s20], [sflag:$0x1] =	stream.indirect.gather [hbm4b:s5+s19], $0x40, s18, s19, $0xb8;
	[tilespmem:$0x1C380] =	vst v63  }
0x76: {  	_ =	swait.ge [sflag:s25], $0x4000  }
0x77: {  	[sflag:s25] =	ssyncset.done $0x0  }
0x78: {  	[sflag:s25] =	ssyncadd.s32 $0xFFFFC000  }
0x79: {  	[spmem:s2] =	stream.indirect.scatter.add.f32 [tilespmem:s22], [sflag:$0x3], $0x40, s29, s19, $0xb8;
	[tilespmem:$0x1C380] =	vst v63  }
0x7a: {  	_ =	swait.ge [sflag:s15], $0x4000  }
0x7b: {  	[sflag:s15] =	ssyncset.done $0x0  }
0x7c: {  	[sflag:s15] =	ssyncadd.s32 $0xFFFFC000  }
0x7d: {  	[spmem:s3] =	stream.indirect.scatter.add.f32 [tilespmem:s24], [sflag:$0x3], $0x1, s29, s19, $0xb8;
	[tilespmem:$0x1C380] =	vst v63  }
0x7e: {  	_ =	swait.ge [sflag:s15], $0x100  }
0x7f: {  	[sflag:s15] =	ssyncset.done $0x0  }
0x80: {  	[sflag:s15] =	ssyncadd.s32 $0xFFFFFF00  }
0x81: {  	[tilespmem:s22], [sflag:$0x2] =	stream.indirect.gather [hbm4b:s5+s19], $0x40, s30, s19, $0xb8;
	[tilespmem:$0x1C380] =	vst v63  }
0x82: {  	_ =	swait.ge [sflag:s23], $0x4000  }
0x83: {  	[sflag:s23] =	ssyncset.done $0x0  }
0x84: {  	[sflag:s23] =	ssyncadd.s32 $0xFFFFC000  }
0x85: {  	[spmem:s2] =	stream.indirect.scatter.add.f32 [tilespmem:s20], [sflag:$0x3], $0x40, s31, s19, $0xb8;
	[tilespmem:$0x1C380] =	vst v63  }
0x86: {  	_ =	swait.ge [sflag:s15], $0x4000  }
0x87: {  	[sflag:s15] =	ssyncset.done $0x0  }
0x88: {  	[sflag:s15] =	ssyncadd.s32 $0xFFFFC000  }
0x89: {  	[spmem:s3] =	stream.indirect.scatter.add.f32 [tilespmem:s24], [sflag:$0x3], $0x1, s31, s19, $0xb8;
	[tilespmem:$0x1C380] =	vst v63  }
0x8a: {  	_ =	swait.ge [sflag:s15], $0x100  }
0x8b: {  	[sflag:s15] =	ssyncset.done $0x0  }
0x8c: {  	[sflag:s15] =	ssyncadd.s32 $0xFFFFFF00  }
0x8d: {  	[tilespmem:s20], [sflag:$0x1] =	stream.indirect.gather [hbm4b:s5+s19], $0x40, s30, s19, $0xb8;
	[tilespmem:$0x1C380] =	vst v63  }
0x8e: {  	_ =	swait.ge [sflag:s25], $0x4000  }
0x8f: {  	[sflag:s25] =	ssyncset.done $0x0  }
0x90: {  	[sflag:s25] =	ssyncadd.s32 $0xFFFFC000  }
0x91: {  	[spmem:s2] =	stream.indirect.scatter.add.f32 [tilespmem:s22], [sflag:$0x3], $0x40, s1, s19, $0xb8;
	[tilespmem:$0x1C380] =	vst v63  }
0x92: {  	_ =	swait.ge [sflag:s15], $0x4000  }
0x93: {  	[sflag:s15] =	ssyncset.done $0x0  }
0x94: {  	[sflag:s15] =	ssyncadd.s32 $0xFFFFC000  }
0x95: {  	[spmem:s3] =	stream.indirect.scatter.add.f32 [tilespmem:s24], [sflag:$0x3], $0x1, s1, s19, $0xb8;
	[tilespmem:$0x1C380] =	vst v63  }
0x96: {  	_ =	swait.ge [sflag:s15], $0x100  }
0x97: {  	[sflag:s15] =	ssyncset.done $0x0  }
0x98: {  	[sflag:s15] =	ssyncadd.s32 $0xFFFFFF00  }
0x99: {  	[tilespmem:s22], [sflag:$0x2] =	stream.indirect.gather [hbm4b:s5+s19], $0x40, s30, s19, $0xb8;
	[tilespmem:$0x1C380] =	vst v63  }
0x9a: {  	_ =	swait.ge [sflag:s23], $0x4000  }
0x9b: {  	[sflag:s23] =	ssyncset.done $0x0  }
0x9c: {  	[sflag:s23] =	ssyncadd.s32 $0xFFFFC000  }
0x9d: {  	_ =	swait.ge [sflag:s25], $0x4000  }
0x9e: {  	[sflag:s25] =	ssyncset.done $0x0  }
0x9f: {  	[sflag:s25] =	ssyncadd.s32 $0xFFFFC000  }
0xa0: {  	[bflag:$0x0] =	sbarrier.arrive $0xFFFF  }
0xa1: {  	[hbm:s11], [sflag:s8] =	dma.local [spmem:s14], $0x1400  }
0xa2: {  	s0 =	sadd.s32 $0x1, s0;
	_ =	swait.ge [sflag:s15], $0x1400  }
0xa3: {  	p0 =	sne.s32 s0, s13;
	[sflag:s15] =	ssyncset.done $0x0  }
.Ltmp1:
0xa4: {  	[sflag:s15] =	ssyncadd.s32 $0xFFFFEC00;
	(pc) =	sbr.rel @p0 .LBB2_1-.Ltmp1, $4  }
0xa5: {  	[hbm:s12], [sflag:s8] =	dma.local [spmem:s16], $0x50  }
0xa6: {  	_ =	swait.ge [sflag:s15], $0x50  }
0xa7: {  	[sflag:s15] =	ssyncset.done $0x0  }
0xa8: {  	[sflag:s15] =	ssyncadd.s32 $0xFFFFFFB0  }
0xa9: {  	_ =	sfence.sel $0x180000  }
0xaa: {  	[bflag:$0x0] =	sbarrier.arrive $0xFFFF  }
0xab: {  	_ =	strace $0x90000047  }
0xac: {  	s0 =	stileid.u32;
	[bflag:$0x2] =	sbarrier.arrive $0xFFFF  }
0xad: {  	p0 =	sne.s32 s0, $0x0;
	s0 =	rddreg [dreg:$0x4]  }
0xae: {  	s0 =	sadd.s32 @!p0 $0x100000, s0  }
0xaf: {  	[sflag:s0] =	ssyncadd.tile.s32 @!p0 $0x1;
	_ =	shalt  }
.Lfunc_end2:
_tile_overlayer_lowered:
.L_overlay_start_2:
0xb0: {  	(tag) =	ssettag $0x2  }
0xb1: {  	s0 =	rddreg [dreg:$0x0];
	s2 =	stileid.u32  }
0xb2: {  	s1 =	rddreg [dreg:$0x1];
	p0 =	sne.s32 s2, $0x0  }
0xb3: {  	s3 =	rddreg [dreg:$0x2];
	[bflag:$0x3] =	sbarrier.arrive $0xFFFF;
	s2 =	simm.s32 @!p0 $0x1C03  }
0xb4: {  	[timem:s3], [sflag:s2] =	dma.local @!p0 [hbm:s0], s1  }
0xb5: {  	s0 =	simm.s32 @!p0 $0x3  }
0xb6: {  	_ =	swait.ge @!p0 [sflag:s0], s1  }
0xb7: {  	s1 =	ssub.s32 @!p0 $0x0, s1;
	[sflag:s0] =	ssyncset.done @!p0 $0x0  }
0xb8: {  	[sflag:s0] =	ssyncadd.s32 @!p0 s1  }
0xb9: {  	[bflag:$0x3] =	sbarrier.arrive $0xFFFF  }
0xba: {  	_ =	shalt  }

// kernel: kernel.9.cloned.1.call-start
scs
__scs_entry_jumppad:
0x0: {  	(pc) =	sbr.rel $0x88, $3  }
0x1: {  	(tag) =	ssettag $0x0;
	lr =	simm.s32 $0x1  }
0x2: {  	[smem:$0x3F93] =	sst lr;
	_ =	strace $0xD0000000  }
0x3: {  	_ = 	snop  }
0x4: {  	_ = 	snop  }
0x5: {  	_ = 	snop  }
0x6: {  	_ = 	snop  }
0x7: {  	_ = 	snop  }
__scs_overlays_trampoline_lowered:
0x8: {  	[smem:$0x3FA2] =	sst s0  }
0x9: {  	[smem:$0x3FA3] =	sst s1  }
0xa: {  	[smem:$0x3FA4] =	sst s2  }
0xb: {  	[smem:$0x3FA5] =	sst s3  }
0xc: {  	[smem:$0x3FA6] =	sst s4  }
0xd: {  	[smem:$0x3FA7] =	sst s5  }
0xe: {  	[smem:$0x3FA8] =	sst s6  }
0xf: {  	[smem:$0x3FA9] =	sst s7  }
0x10: {  	[smem:$0x3FAA] =	sst s8  }
0x11: {  	[smem:$0x3FAB] =	sst s9;
	s0 =	simm.s32 @!p0 $0x0  }
0x12: {  	s1 =	sld [smem:$0x3F91];
	s0 =	simm.s32 @p0 $0x1  }
0x13: {  	[smem:$0x3FAC] =	sst s0;
	s0 =	simm.s32 @!p1 $0x0  }
0x14: {  	s2 =	sld [smem:$0x3F90];
	s0 =	simm.s32 @p1 $0x1  }
0x15: {  	[smem:$0x3FAD] =	sst s0;
	s0 =	simm.s32 @!p2 $0x0  }
0x16: {  	s3 =	sld [smem:$0x3FDB];
	s0 =	simm.s32 @p2 $0x1  }
0x17: {  	s4 =	simm.s32 $0x1BF5;
	[smem:$0x3FAF] =	sst s0  }
0x18: {  	s0 =	sld [smem:$0x3F92];
	_ =	swait.ge [sflag:s4], $0x0  }
0x19: {  	s7 =	sld [smem:$0x3F93]  }
0x1a: {  	s8 =	sadd.s32 $0xFFFFE003, lr  }
0x1b: {  	s9 =	sadd.s32 $0xFFFFFEF7, lr;
	s5 =	simm.s32 $0xFFFFFFFF;
	p2 =	slt.u32 s8, $0xFFFFF086  }
0x1c: {  	p1 =	slt.u32 s9, $0xF7A;
	s5 =	simm.s32 @!p2 $0x0  }
0x1d: {  	s5 =	simm.s32 @p1 $0x1;
	p0 =	seq.s32 s7, s2  }
0x1e: {  	s7 =	smul.u32 @!p0 $0xF7A, s2;
	p2 =	seq.s32 @!p0 s5, $0x0  }
0x1f: {  	s9 =	smul.u32 $0xF7A, s1;
	s8 =	simm.s32 @!p0 $0x1BF5;
	p2 =	por !p2, p0  }
0x20: {  	[sflag:s8] =	ssyncset.s32 @!p0 $0xFFFFF086;
	s6 =	sadd.s32 @!p0 s3, s7;
	s7 =	simm.s32 @!p0 $0x108  }
0x21: {  	s3 =	sadd.s32 s3, s9;
	s6 =	sadd.s32 @!p0 $0x88, s6;
	s7 =	simm.s32 @p2 $0x1082  }
0x22: {  	[simem:s7], [sflag:s8] =	dma.local @!p0 [hbm:s6], $0xF7A  }
0x23: {  	s9 =	sor.u32 $0xD0000000, s2;
	s6 =	simm.s32 $0x108;
	_ =	swait.ge @!p0 [sflag:s8], $0x0  }
0x24: {  	s3 =	sadd.s32 $0x88, s3;
	s6 =	simm.s32 @!p1 $0x1082;
	[sflag:s4] =	ssyncset.s32 $0xFFFFF086  }
0x25: {  	[simem:s6], [sflag:s4] =	dma.local [hbm:s3], $0xF7A  }
0x26: {  	[smem:$0x3F93] =	sst s1;
	(tag) =	ssettag s2;
	_ =	strace s9  }
0x27: {  	s1 =	sld [smem:$0x3FA3]  }
0x28: {  	s2 =	sld [smem:$0x3FA4]  }
0x29: {  	s4 =	sld [smem:$0x3FA6]  }
0x2a: {  	p0 =	seq.s32 s5, $0x0;
	s5 =	sld [smem:$0x3FA7]  }
0x2b: {  	s6 =	sld [smem:$0x3FA8]  }
0x2c: {  	s7 =	sld [smem:$0x3FA9]  }
0x2d: {  	s3 =	simm.s32 $0x108;
	s8 =	sld [smem:$0x3FAA]  }
0x2e: {  	s3 =	simm.s32 @!p0 $0x1082;
	s9 =	sld [smem:$0x3FAB]  }
0x2f: {  	lr =	sadd.s32 s0, s3;
	s0 =	sld [smem:$0x3FA2]  }
0x30: {  	s3 =	sld [smem:$0x3FA5]  }
0x31: {  	[smem:$0x3FAE] =	sst s10  }
0x32: {  	s10 =	sld [smem:$0x3FAC];
	_ =	sdelay $0x3  }
0x33: {  	p0 =	seq.s32 s10, $0x1;
	s10 =	sld [smem:$0x3FAE];
	_ =	sdelay $0x3  }
0x34: {  	[smem:$0x3FAE] =	sst s10  }
0x35: {  	s10 =	sld [smem:$0x3FAD];
	_ =	sdelay $0x3  }
0x36: {  	p1 =	seq.s32 s10, $0x1;
	s10 =	sld [smem:$0x3FAE];
	_ =	sdelay $0x3  }
0x37: {  	[smem:$0x3FAE] =	sst s10  }
0x38: {  	s10 =	sld [smem:$0x3FAF]  }
0x39: {  	_ = 	snop;
	(pc) =	sbr.ind lr, $3  }
0x3a: {  	_ = 	snop  }
0x3b: {  	_ = 	snop  }
0x3c: {  	p2 =	seq.s32 s10, $0x1;
	s10 =	sld [smem:$0x3FAE]  }
0x3d: {  	_ =	shalt  }
0x3e: {  	_ =	shalt  }
0x3f: {  	_ =	shalt  }
0x40: {  	_ =	shalt  }
0x41: {  	_ =	shalt  }
0x42: {  	_ =	shalt  }
0x43: {  	_ =	shalt  }
0x44: {  	_ =	shalt  }
0x45: {  	_ =	shalt  }
0x46: {  	_ =	shalt  }
0x47: {  	_ =	shalt  }
0x48: {  	_ =	shalt  }
0x49: {  	_ =	shalt  }
0x4a: {  	_ =	shalt  }
0x4b: {  	_ =	shalt  }
0x4c: {  	_ =	shalt  }
0x4d: {  	_ =	shalt  }
0x4e: {  	_ =	shalt  }
0x4f: {  	_ =	shalt  }
0x50: {  	_ =	shalt  }
0x51: {  	_ =	shalt  }
0x52: {  	_ =	shalt  }
0x53: {  	_ =	shalt  }
0x54: {  	_ =	shalt  }
0x55: {  	_ =	shalt  }
0x56: {  	_ =	shalt  }
0x57: {  	_ =	shalt  }
0x58: {  	_ =	shalt  }
0x59: {  	_ =	shalt  }
0x5a: {  	_ =	shalt  }
0x5b: {  	_ =	shalt  }
0x5c: {  	_ =	shalt  }
0x5d: {  	_ =	shalt  }
0x5e: {  	_ =	shalt  }
0x5f: {  	_ =	shalt  }
0x60: {  	_ =	shalt  }
0x61: {  	_ =	shalt  }
0x62: {  	_ =	shalt  }
0x63: {  	_ =	shalt  }
0x64: {  	_ =	shalt  }
0x65: {  	_ =	shalt  }
0x66: {  	_ =	shalt  }
0x67: {  	_ =	shalt  }
0x68: {  	_ =	shalt  }
0x69: {  	_ =	shalt  }
0x6a: {  	_ =	shalt  }
0x6b: {  	_ =	shalt  }
0x6c: {  	_ =	shalt  }
0x6d: {  	_ =	shalt  }
0x6e: {  	_ =	shalt  }
0x6f: {  	_ =	shalt  }
0x70: {  	_ =	shalt  }
0x71: {  	_ =	shalt  }
0x72: {  	_ =	shalt  }
0x73: {  	_ =	shalt  }
0x74: {  	_ =	shalt  }
0x75: {  	_ =	shalt  }
0x76: {  	_ =	shalt  }
0x77: {  	_ =	shalt  }
0x78: {  	_ =	shalt  }
0x79: {  	_ =	shalt  }
0x7a: {  	_ =	shalt  }
0x7b: {  	_ =	shalt  }
0x7c: {  	_ =	shalt  }
0x7d: {  	_ =	shalt  }
0x7e: {  	_ =	shalt  }
0x7f: {  	_ =	shalt  }
0x80: {  	_ =	shalt  }
0x81: {  	_ =	shalt  }
0x82: {  	_ =	shalt  }
0x83: {  	_ =	shalt  }
0x84: {  	_ =	shalt  }
0x85: {  	_ =	shalt  }
0x86: {  	_ =	shalt  }
0x87: {  	_ =	shalt  }
.Lfunc_end0:
.L_simem_size_0:
called_computation.1_lowered:
.L_overlay_start_0:
0x88: {  	s2 =	sld [smem:$0x3FD9]  }
0x89: {  	s3 =	sld [smem:$0x3FFE];
	_ =	sdelay $0x1  }
0x8a: {  	s1 =	srdreg.scid  }
0x8b: {  	s0 =	sand.u32 $0x1, s1  }
0x8c: {  	s17 =	sshll.u32 s0, $0xA;
	s2 =	sadd.s32 s3, s2  }
0x8d: {  	s2 =	sadd.s32 s2, s17  }
0x8e: {  	[smem:$0x3FBA] =	sst s2  }
0x8f: {  	_ = 	snop  }
0x90: {  	s2 =	sld [smem:$0x3FD0];
	(tm) =	ssettm $0x1  }
0x91: {  	s18 =	sld [smem:$0x3FFB];
	_ =	sdelay $0x3  }
0x92: {  	_ =	strace s18  }
0x93: {  	s3 =	sld [smem:$0x3FFC];
	_ =	sdelay $0x3  }
0x94: {  	_ =	strace s3  }
0x95: {  	s3 =	sld [smem:$0x3FFD];
	_ =	sdelay $0x3  }
0x96: {  	_ =	strace s3  }
0x97: {  	_ =	strace $0x8FFFFFFF  }
0x98: {  	s19 =	sld [smem:$0x3FDB];
	_ =	sdelay $0x1  }
0x99: {  	s4 =	simm.s32 $_scs_section_size  }
0x9a: {  	s5 =	simm.s32 $_size__tile_overlayer_lowered;
	s6 =	simm.s32 $_tile_overlayer_lowered  }
0x9b: {  	s22 =	simm.s32 $0x1BFF;
	s21 =	sshll.u32 s6, $0x1;
	s3 =	sadd.s32 s4, s19  }
0x9c: {  	s7 =	simm.s32 $0x0;
	s20 =	sshll.u32 s5, $0x1;
	s5 =	sadd.s32 s21, s3  }
0x9d: {  	[timem:s7], [sflag:s22] =	dma.local [hbm:s5], s20  }
0x9e: {  	_ =	swait.ge [sflag:s22], s20  }
0x9f: {  	s4 =	ssub.s32 $0x0, s20;
	[sflag:s22] =	ssyncset.done $0x0  }
0xa0: {  	[sflag:s22] =	ssyncadd.s32 s4;
	_ =	sdelay $0x1  }
0xa1: {  	s23 =	simm.s32 $0x1B8B  }
0xa2: {  	_ =	swait.ge [sflag:s23], $0x1  }
0xa3: {  	[sflag:s23] =	ssyncset.done $0x0  }
0xa4: {  	s25 =	simm.s32 $0x1B8E;
	s24 =	sld [smem:$0x3FFE];
	[sflag:s23] =	ssyncadd.s32 $0xFFFFFFFF  }
0xa5: {  	s26 =	simm.s32 $execute0_lowered;
	[smem:$0x3FD2] =	sst s25  }
0xa6: {  	s5 =	sshll.u32 s26, $0x1;
	_ =	strace $0x80000049;
	[dreg:$0x1] =	wrdreg $0xFFFFFFFF  }
0xa7: {  	s28 =	simm.s32 $_size_execute0_lowered;
	s3 =	sadd.s32 s3, s5;
	[dreg:$0x0] =	wrdreg $0x0  }
0xa8: {  	s5 =	sshll.u32 s28, $0x1;
	[dreg:$0x2] =	wrdreg s3  }
0xa9: {  	[dreg:$0x3] =	wrdreg s5  }
0xaa: {  	[dreg:$0x4] =	wrdreg $0xC0  }
0xab: {  	_ =	task [dreg:s7], $0x5FFFF  }
0xac: {  	[dreg:$0x1] =	wrdreg $0xFFFFFFFF  }
0xad: {  	[dreg:$0x0] =	wrdreg $0x60  }
0xae: {  	[dreg:$0x2] =	wrdreg s24  }
0xaf: {  	[dreg:$0x3] =	wrdreg s2  }
0xb0: {  	[dreg:$0x4] =	wrdreg $0x0  }
0xb1: {  	[dreg:$0x5] =	wrdreg $0x9  }
0xb2: {  	_ =	task.clear_ibuf [dreg:s7], $0x6FFFF;
	_ =	strace $0x90000049  }
0xb3: {  	s29 =	simm.s32 $0x9;
	_ =	strace $0x8000004B  }
0xb4: {  	_ =	swait.ge [sflag:s29], $0x1  }
0xb5: {  	[sflag:s29] =	ssyncadd.s32 $0xFFFFFFFF  }
0xb6: {  	_ =	strace $0x9000004B  }
0xb7: {  	_ =	sfence  }
0xb8: {  	s30 =	sld [smem:$0x0];
	_ =	sdelay $0x2  }
0xb9: {  	s31 =	sshll.u32 s1, $0xD;
	s1 =	sshrl.u32 s1, $0x2  }
0xba: {  	s3 =	sand.u32 $0x4000, s31;
	s1 =	sadd.s32 s1, s30  }
0xbb: {  	s0 =	sor.u32 s3, s0;
	s1 =	sshll.u32 s1, $0x11  }
0xbc: {  	s0 =	sor.u32 s1, s0  }
0xbd: {  	s0 =	sadd.s32 $0x8F2B, s0  }
0xbe: {  	[sflag:s0] =	ssyncadd.remote.s32 $0x1  }
0xbf: {  	_ =	sfence.sel $0xFFFF  }
0xc0: {  	[dreg:$0x0] =	wrdreg $0xFFFFFFFF;
	(pc) =	sbr.abs _section_cstart, $3  }
0xc1: {  	[dreg:$0x1] =	wrdreg $0xFFFFFFFF  }
0xc2: {  	_ =	task.clear_ibuf [dreg:s7], $0x2FFFF;
	_ =	strace $0x9FFFFFFF  }
0xc3: {  	(tm) =	ssettm $0x7FFFFFFF  }
tec
execute0_lowered:
.L_overlay_start_1:
0x0: {  	(tag) =	ssettag $0x1  }
0x1: {  	s6 =	rddreg [dreg:$0x0]  }
0x2: {  	s7 =	rddreg [dreg:$0x1]  }
0x3: {  	s2 =	rddreg [dreg:$0x2]  }
0x4: {  	s0 =	srdreg.scid;
	s1 =	rddreg [dreg:$0x3];
	s3 =	simm.s32 $0x0  }
0x5: {  	s15 =	simm.s32 $0x100;
	s16 =	simm.s32 $0x14000;
	s17 =	simm.s32 $0xA100  }
0x6: {  	s18 =	simm.s32 $0x18000;
	s19 =	simm.s32 $0x1;
	s20 =	simm.s32 $0x2  }
0x7: {  	s21 =	simm.s32 $0x13C00;
	s22 =	simm.s32 $0xEE00;
	s8 =	sand.u32 $0x1, s0  }
0x8: {  	s23 =	simm.s32 $0x13D00;
	s0 =	stileid.u32;
	s4 =	smul.u32 $0x500, s8  }
0x9: {  	s24 =	simm.s32 $0xEF00;
	s25 =	simm.s32 $0x13E00;
	s5 =	smul.u32 $0x50, s0  }
0xa: {  	s26 =	simm.s32 $0x13F00;
	[smem:$0x7FF] =	sst s3;
	s9 =	smul.u32 $0x280, s0  }
0xb: {  	s28 =	simm.s32 $0x0;
	s10 =	smul.u32 $0x2800, s8;
	_ =	strace $0x8000004A  }
0xc: {  	s12 =	smul.u32 $0x28000, s0;
	s31 =	ssub.s32 $0x2, s8;
	s13 =	sshll.u32 s0, $0x6  }
0xd: {  	s8 =	sshrl.u32 s31, $0x1;
	s5 =	sadd.s32 s5, s4;
	s4 =	sadd.s32 $0x65E00, s6  }
0xe: {  	s29 =	sadd.s32 s9, s10;
	s12 =	sshrl.u32 s12, $0x2;
	s14 =	ssub.s32 s31, s8  }
0xf: {  	s11 =	sshll.u32 s5, $0x5;
	s10 =	sshll.u32 s29, $0x3;
	s5 =	sadd.s32 $0x8DE00, s6  }
0x10: {  	s12 =	sadd.s32 s12, s2;
	s30 =	sadd.s32 s11, s6;
	s10 =	sadd.s32 s10, s6  }
0x11: {  	s6 =	sor.u32 $0x1C03, s13;
	s7 =	sadd.s32 s7, s11;
	s11 =	sshrl.u32 s12, $0x3  }
0x12: {  	s12 =	simm.s32 $0x3;
	s13 =	simm.s32 $0xA000;
	s8 =	sadd.s32 $0x1E00, s30  }
0x13: {  	s9 =	sadd.s32 $0x8F400, s10;
	s10 =	smax.u32 s14, $0x1;
	s14 =	simm.s32 $0xF000  }
.LBB2_1:
0x14: {  	[spmem:s11], [sflag:s6] =	dma.local [hbm:s5], $0x1400  }
0x15: {  	_ =	swait.ge [sflag:s12], $0x1400  }
0x16: {  	[sflag:s12] =	ssyncset.done $0x0  }
0x17: {  	[sflag:s12] =	ssyncadd.s32 $0xFFFFEC00  }
0x18: {  	[tilespmem:s13], [sflag:$0x3] =	stream.linear.gather [hbm4b:s7+s3], $0x5000, $0x38;
	[tilespmem:$0x1C000] =	vst v63  }
0x19: {  	_ =	swait.ge [sflag:s12], $0x5000  }
0x1a: {  	[sflag:s12] =	ssyncset.done $0x0  }
0x1b: {  	[sflag:s12] =	ssyncadd.s32 $0xFFFFB000  }
0x1c: {  	[tilespmem:s14], [sflag:$0x3] =	stream.linear.gather [hbm4b:s8+s3], $0x5000, $0x38;
	[tilespmem:$0x1C000] =	vst v63  }
0x1d: {  	_ =	swait.ge [sflag:s12], $0x5000  }
0x1e: {  	[sflag:s12] =	ssyncset.done $0x0  }
0x1f: {  	[sflag:s12] =	ssyncadd.s32 $0xFFFFB000  }
0x20: {  	[bflag:$0x0] =	sbarrier.arrive $0xFFFF  }
0x21: {  	[tilespmem:s16], [sflag:$0x1] =	stream.indirect.gather [hbm4b:s4+s15], $0x40, s13, s15, $0xb8;
	[tilespmem:$0x1C000] =	vst v63  }
0x22: {  	_ = 	snop  }
0x23: {  	[tilespmem:s18], [sflag:$0x2] =	stream.indirect.gather [hbm4b:s4+s15], $0x40, s17, s15, $0xb8;
	[tilespmem:$0x1C000] =	vst v63  }
0x24: {  	_ =	swait.ge [sflag:s19], $0x4000  }
0x25: {  	[sflag:s19] =	ssyncset.done $0x0  }
0x26: {  	s29 =	simm.s32 $0xF000;
	[sflag:s19] =	ssyncadd.s32 $0xFFFFC000  }
0x27: {  	[spmem:s2] =	stream.indirect.scatter.add.f32 [tilespmem:s16], [sflag:$0x3], $0x40, s29, s15, $0xb8;
	[tilespmem:$0x1C000] =	vst v63  }
0x28: {  	_ =	swait.ge [sflag:s12], $0x4000  }
0x29: {  	[sflag:s12] =	ssyncset.done $0x0  }
0x2a: {  	s29 =	simm.s32 $0xA200;
	[sflag:s12] =	ssyncadd.s32 $0xFFFFC000  }
0x2b: {  	[tilespmem:s16], [sflag:$0x1] =	stream.indirect.gather [hbm4b:s4+s15], $0x40, s29, s15, $0xb8;
	[tilespmem:$0x1C000] =	vst v63  }
0x2c: {  	_ =	swait.ge [sflag:s20], $0x4000  }
0x2d: {  	[sflag:s20] =	ssyncset.done $0x0  }
0x2e: {  	s29 =	simm.s32 $0xF100;
	[sflag:s20] =	ssyncadd.s32 $0xFFFFC000  }
0x2f: {  	[spmem:s2] =	stream.indirect.scatter.add.f32 [tilespmem:s18], [sflag:$0x3], $0x40, s29, s15, $0xb8;
	[tilespmem:$0x1C000] =	vst v63  }
0x30: {  	_ =	swait.ge [sflag:s12], $0x4000  }
0x31: {  	[sflag:s12] =	ssyncset.done $0x0  }
0x32: {  	s30 =	simm.s32 $0xA300;
	s29 =	simm.s32 $0x800;
	[sflag:s12] =	ssyncadd.s32 $0xFFFFC000  }
.LBB2_2:
0x33: {  	[tilespmem:s18], [sflag:$0x2] =	stream.indirect.gather [hbm4b:s4+s15], $0x40, s30, s15, $0xb8;
	[tilespmem:$0x1C000] =	vst v63  }
0x34: {  	s30 =	smov.u32 s29  }
0x35: {  	p0 =	sne.s32 s29, $0x12800;
	s29 =	sadd.s32 $0x800, s29;
	_ =	swait.ge [sflag:s19], $0x4000  }
0x36: {  	s30 =	sshra.s32 s30, $0x2;
	[sflag:s19] =	ssyncset.done $0x0  }
0x37: {  	s31 =	sadd.s32 $0xF000, s30;
	[sflag:s19] =	ssyncadd.s32 $0xFFFFC000  }
0x38: {  	[spmem:s2] =	stream.indirect.scatter.add.f32 [tilespmem:s16], [sflag:$0x3], $0x40, s31, s15, $0xb8;
	[tilespmem:$0x1C000] =	vst v63  }
0x39: {  	_ =	swait.ge [sflag:s12], $0x4000  }
0x3a: {  	[sflag:s12] =	ssyncset.done $0x0  }
0x3b: {  	s31 =	sadd.s32 $0xA200, s30;
	[sflag:s12] =	ssyncadd.s32 $0xFFFFC000  }
0x3c: {  	[tilespmem:s16], [sflag:$0x1] =	stream.indirect.gather [hbm4b:s4+s15], $0x40, s31, s15, $0xb8;
	[tilespmem:$0x1C000] =	vst v63  }
0x3d: {  	_ =	swait.ge [sflag:s20], $0x4000  }
0x3e: {  	[sflag:s20] =	ssyncset.done $0x0  }
.Ltmp0:
0x3f: {  	s31 =	sadd.s32 $0xF100, s30;
	[sflag:s20] =	ssyncadd.s32 $0xFFFFC000;
	(pc) =	sbr.rel @p0 .LBB2_2-.Ltmp0, $4  }
0x40: {  	[spmem:s2] =	stream.indirect.scatter.add.f32 [tilespmem:s18], [sflag:$0x3], $0x40, s31, s15, $0xb8;
	[tilespmem:$0x1C000] =	vst v63  }
0x41: {  	_ =	swait.ge [sflag:s12], $0x4000  }
0x42: {  	[sflag:s12] =	ssyncset.done $0x0  }
0x43: {  	s30 =	sadd.s32 $0xA300, s30;
	[sflag:s12] =	ssyncadd.s32 $0xFFFFC000  }
0x44: {  	[tilespmem:s18], [sflag:$0x2] =	stream.indirect.gather [hbm4b:s4+s15], $0x40, s30, s15, $0xb8;
	[tilespmem:$0x1C000] =	vst v63  }
0x45: {  	_ =	swait.ge [sflag:s19], $0x4000  }
0x46: {  	[sflag:s19] =	ssyncset.done $0x0  }
0x47: {  	[sflag:s19] =	ssyncadd.s32 $0xFFFFC000  }
0x48: {  	[spmem:s2] =	stream.indirect.scatter.add.f32 [tilespmem:s16], [sflag:$0x3], $0x40, s21, s15, $0xb8;
	[tilespmem:$0x1C000] =	vst v63  }
0x49: {  	_ =	swait.ge [sflag:s12], $0x4000  }
0x4a: {  	[sflag:s12] =	ssyncset.done $0x0  }
0x4b: {  	[sflag:s12] =	ssyncadd.s32 $0xFFFFC000  }
0x4c: {  	[tilespmem:s16], [sflag:$0x1] =	stream.indirect.gather [hbm4b:s4+s15], $0x40, s22, s15, $0xb8;
	[tilespmem:$0x1C000] =	vst v63  }
0x4d: {  	_ =	swait.ge [sflag:s20], $0x4000  }
0x4e: {  	[sflag:s20] =	ssyncset.done $0x0  }
0x4f: {  	[sflag:s20] =	ssyncadd.s32 $0xFFFFC000  }
0x50: {  	[spmem:s2] =	stream.indirect.scatter.add.f32 [tilespmem:s18], [sflag:$0x3], $0x40, s23, s15, $0xb8;
	[tilespmem:$0x1C000] =	vst v63  }
0x51: {  	_ =	swait.ge [sflag:s12], $0x4000  }
0x52: {  	[sflag:s12] =	ssyncset.done $0x0  }
0x53: {  	[sflag:s12] =	ssyncadd.s32 $0xFFFFC000  }
0x54: {  	[tilespmem:s18], [sflag:$0x2] =	stream.indirect.gather [hbm4b:s4+s15], $0x40, s24, s15, $0xb8;
	[tilespmem:$0x1C000] =	vst v63  }
0x55: {  	_ =	swait.ge [sflag:s19], $0x4000  }
0x56: {  	[sflag:s19] =	ssyncset.done $0x0  }
0x57: {  	[sflag:s19] =	ssyncadd.s32 $0xFFFFC000  }
0x58: {  	[spmem:s2] =	stream.indirect.scatter.add.f32 [tilespmem:s16], [sflag:$0x3], $0x40, s25, s15, $0xb8;
	[tilespmem:$0x1C000] =	vst v63  }
0x59: {  	_ =	swait.ge [sflag:s12], $0x4000  }
0x5a: {  	[sflag:s12] =	ssyncset.done $0x0  }
0x5b: {  	[sflag:s12] =	ssyncadd.s32 $0xFFFFC000  }
0x5c: {  	[tilespmem:s16], [sflag:$0x1] =	stream.indirect.gather [hbm4b:s4+s15], $0x40, s24, s15, $0xb8;
	[tilespmem:$0x1C000] =	vst v63  }
0x5d: {  	_ =	swait.ge [sflag:s20], $0x4000  }
0x5e: {  	[sflag:s20] =	ssyncset.done $0x0  }
0x5f: {  	[sflag:s20] =	ssyncadd.s32 $0xFFFFC000  }
0x60: {  	[spmem:s2] =	stream.indirect.scatter.add.f32 [tilespmem:s18], [sflag:$0x3], $0x40, s26, s15, $0xb8;
	[tilespmem:$0x1C000] =	vst v63  }
0x61: {  	_ =	swait.ge [sflag:s12], $0x4000  }
0x62: {  	[sflag:s12] =	ssyncset.done $0x0  }
0x63: {  	[sflag:s12] =	ssyncadd.s32 $0xFFFFC000  }
0x64: {  	[tilespmem:s18], [sflag:$0x2] =	stream.indirect.gather [hbm4b:s4+s15], $0x40, s24, s15, $0xb8;
	[tilespmem:$0x1C000] =	vst v63  }
0x65: {  	_ =	swait.ge [sflag:s19], $0x4000  }
0x66: {  	[sflag:s19] =	ssyncset.done $0x0  }
0x67: {  	[sflag:s19] =	ssyncadd.s32 $0xFFFFC000  }
0x68: {  	_ =	swait.ge [sflag:s20], $0x4000  }
0x69: {  	s28 =	sadd.s32 $0x1, s28;
	[sflag:s20] =	ssyncset.done $0x0  }
0x6a: {  	p0 =	sne.s32 s28, s10;
	[sflag:s20] =	ssyncadd.s32 $0xFFFFC000  }
.Ltmp1:
0x6b: {  	[bflag:$0x0] =	sbarrier.arrive $0xFFFF;
	(pc) =	sbr.rel @p0 .LBB2_1-.Ltmp1, $4  }
0x6c: {  	[hbm:s9], [sflag:s6] =	dma.local [spmem:s11], $0x1400  }
0x6d: {  	_ =	swait.ge [sflag:s12], $0x1400  }
0x6e: {  	[sflag:s12] =	ssyncset.done $0x0  }
0x6f: {  	[sflag:s12] =	ssyncadd.s32 $0xFFFFEC00  }
0x70: {  	_ =	sfence.sel $0x180000  }
0x71: {  	[bflag:$0x0] =	sbarrier.arrive $0xFFFF  }
0x72: {  	p0 =	sne.s32 s0, $0x0;
	_ =	strace $0x9000004A  }
0x73: {  	s0 =	sadd.s32 @!p0 $0x100000, s1;
	[bflag:$0x2] =	sbarrier.arrive $0xFFFF  }
0x74: {  	[sflag:s0] =	ssyncadd.tile.s32 @!p0 $0x1;
	_ =	shalt  }
.Lfunc_end2:
_tile_overlayer_lowered:
.L_overlay_start_2:
0x75: {  	(tag) =	ssettag $0x2  }
0x76: {  	s0 =	rddreg [dreg:$0x0];
	s2 =	stileid.u32  }
0x77: {  	s1 =	rddreg [dreg:$0x1];
	p0 =	sne.s32 s2, $0x0  }
0x78: {  	s3 =	rddreg [dreg:$0x2];
	[bflag:$0x3] =	sbarrier.arrive $0xFFFF;
	s2 =	simm.s32 @!p0 $0x1C03  }
0x79: {  	[timem:s3], [sflag:s2] =	dma.local @!p0 [hbm:s0], s1  }
0x7a: {  	s0 =	simm.s32 @!p0 $0x3  }
0x7b: {  	_ =	swait.ge @!p0 [sflag:s0], s1  }
0x7c: {  	s1 =	ssub.s32 @!p0 $0x0, s1;
	[sflag:s0] =	ssyncset.done @!p0 $0x0  }
0x7d: {  	[sflag:s0] =	ssyncadd.s32 @!p0 s1  }
0x7e: {  	[bflag:$0x3] =	sbarrier.arrive $0xFFFF  }
0x7f: {  	_ =	shalt  }

</sc_bundles>
